<compile_context>
chip_gen: v7x
topology: tpu7x:2x2x1
jax: 0.10.2.dev20260603
libtpu: 0.0.44.dev20260713+nightly
codegen_flags: <defaults>
</compile_context>

<pallas_src>
import functools
import math

import jax
import jax.numpy as jnp
from jax import lax
from jax.experimental import pallas as pl
from jax.experimental.pallas import tpu as pltpu
from jax.experimental.pallas import tpu_sc as plsc

_D = 32
_SCALE = math.sqrt(float(_D))
_NC = 2
_NS = 16
_NW = _NC * _NS
_C = 800
_NB = 4
_LA = 3


@jax.jit
def _embed(tokens_flat, table):
    n = tokens_flat.shape[0]
    per_w = n // _NW
    n_chunks = per_w // _C
    n_groups = n_chunks // _NB

    mesh = plsc.VectorSubcoreMesh(core_axis_name="c", subcore_axis_name="s")

    @functools.partial(
        pl.kernel,
        mesh=mesh,
        out_type=jax.ShapeDtypeStruct((n, _D), jnp.float32),
        scratch_types=[
            pltpu.VMEM((_NB, _C), jnp.int32),
            pltpu.VMEM((_NB, _C, _D), jnp.float32),
            pltpu.SemaphoreType.DMA((_NB,)),
            pltpu.SemaphoreType.DMA((_NB,)),
        ],
        compiler_params=pltpu.CompilerParams(use_tc_tiling_on_sc=False),
    )
    def emb(tok_hbm, tab_hbm, out_hbm, idx_v, rows_v, gsem, osem):
        wid = lax.axis_index("s") * _NC + lax.axis_index("c")
        base = wid * per_w

        def start_gather(ci, b):
            off = base + ci * _C
            pltpu.sync_copy(tok_hbm.at[pl.ds(off, _C)], idx_v.at[b])
            pltpu.make_async_copy(
                tab_hbm.at[idx_v.at[b]], rows_v.at[b], gsem.at[b]
            ).start()

        for b in range(_LA):
            start_gather(b, b)

        def group(g, carry):
            ci0 = g * _NB
            for b in range(_NB):
                ci = ci0 + b
                off = base + ci * _C
                pltpu.make_async_copy(
                    tab_hbm.at[idx_v.at[b]], rows_v.at[b], gsem.at[b]
                ).wait()

                @plsc.parallel_loop(0, _C, 1, unroll=8)
                def _scale(i):
                    rows_v[b, i, pl.ds(0, 16)] = rows_v[b, i, pl.ds(0, 16)] * _SCALE
                    rows_v[b, i, pl.ds(16, 16)] = (
                        rows_v[b, i, pl.ds(16, 16)] * _SCALE
                    )

                pltpu.make_async_copy(
                    rows_v.at[b], out_hbm.at[pl.ds(off, _C)], osem.at[b]
                ).start()

                bb = (b + _LA) % _NB

                @pl.when(ci + _LA < n_chunks)
                def _refill():
                    @pl.when(ci + _LA >= _NB)
                    def _drain_prev():
                        pltpu.make_async_copy(
                            rows_v.at[bb],
                            out_hbm.at[pl.ds(off, _C)],
                            osem.at[bb],
                        ).wait()

                    start_gather(ci + _LA, bb)

            return carry

        lax.fori_loop(0, n_groups, group, 0)

        for b in range(_NB):
            off = base + ((n_groups - 1) * _NB + b) * _C
            pltpu.make_async_copy(
                rows_v.at[b], out_hbm.at[pl.ds(off, _C)], osem.at[b]
            ).wait()

    return emb(tokens_flat, table)


def kernel(tokens, table):
    b, s = tokens.shape
    out = _embed(tokens.reshape(-1), table)
    return out.reshape(b, s, _D)

# --- scband reference (transcript-rebuilt; emitter-appended) ---
"""Pipeline reference for scband-token-embedding-22436909154374 (READ-ONLY COPY).

The authoritative reference and input builder live on the scoring server;
editing this copy changes nothing except your own understanding.
"""

import math
import jax, jax.numpy as jnp
import numpy as np

CHARSET_SIZE = 1000000
EMBED_DIM = 32
BATCH = 16384
SEQ = 200

def setup_inputs(seed: int = 0) -> dict:
    key = jax.random.key(seed)
    k_tok, k_tab = jax.random.split(key)
    tokens = jax.random.randint(k_tok, (BATCH, SEQ), 0, CHARSET_SIZE, dtype=jnp.int64 if jax.config.jax_enable_x64 else jnp.int32)
    table = jax.random.normal(k_tab, (CHARSET_SIZE, EMBED_DIM), dtype=jnp.float32)
    return {"tokens": tokens, "table": table}

def reference(tokens, table):
    # TokenEmbedding.forward: sqrt(embed_dim) * embedding(tokens)
    emb = jnp.take(table, tokens, axis=0)
    return math.sqrt(EMBED_DIM) * emb

if __name__ == "__main__":
    import jax
    _d = setup_inputs()
    print(jax.jit(kernel)(*tuple(_d.values())))

</pallas_src>

<mosaic_0001>
#map = affine_map<(d0, d1) -> (0)>
#map1 = affine_map<(d0, d1) -> (0, 0)>
module attributes {stable_mosaic.version = 14 : i64} {
  func.func @emb(%arg0: i32, %arg1: i32, %arg2: memref<3276800xi32, #tpu.memory_space<hbm>>, %arg3: memref<1000000x32xf32, #tpu.memory_space<hbm>>, %arg4: memref<3276800x32xf32, #tpu.memory_space<hbm>>, %arg5: memref<4x800xi32, #tpu.memory_space<vmem>>, %arg6: memref<4x800x32xf32, #tpu.memory_space<vmem>>, %arg7: memref<4x!tpu.dma_semaphore, #tpu.memory_space<semaphore_mem>>, %arg8: memref<4x!tpu.dma_semaphore, #tpu.memory_space<semaphore_mem>>) attributes {dimension_semantics = [#tpu.dimension_semantics<core_parallel>, #tpu.dimension_semantics<subcore_parallel>], iteration_bounds = array<i64: 2, 16>, scalar_prefetch = 0 : i64, scratch_operands = 4 : i64, tpu.core_type = #tpu.core_type<sc_vector_subcore>, window_params = [{transform_indices = #map}, {transform_indices = #map1}, {transform_indices = #map1}]} {
    %mul3A = arith.constant 2 : i32
    %mul3A_0 = arith.muli %arg1, %mul3A : i32
    %add3A = arith.addi %mul3A_0, %arg0 : i32
    %mul3A_1 = arith.constant 102400 : i32
    %mul3A_2 = arith.muli %add3A, %mul3A_1 : i32
    %add3A_3 = arith.constant 0 : i32
    %add3A_4 = arith.addi %mul3A_2, %add3A_3 : i32
    %run_scoped3A = arith.constant 0 : i32
    "tpu.region"() ({
      %run_scoped3A_131 = tpu.sem_alloc : memref<!tpu.dma_semaphore, #tpu.memory_space<semaphore_mem>>
      %dma_start3A_132 = arith.constant 0 : i32
      %dma_start3A_133 = tpu.memref_slice %arg5[%run_scoped3A, %dma_start3A_132] : memref<4x800xi32, #tpu.memory_space<vmem>> -> memref<1x800xi32, #tpu.memory_space<vmem>>
      %dma_start3A_134 = tpu.memref_squeeze %dma_start3A_133 : memref<1x800xi32, #tpu.memory_space<vmem>> -> memref<800xi32, #tpu.memory_space<vmem>>
      %dma_start3A_135 = tpu.memref_slice %arg2[%add3A_4] : memref<3276800xi32, #tpu.memory_space<hbm>> -> memref<800xi32, #tpu.memory_space<hbm>>
      %dma_start3A_136 = arith.constant 0 : i32
      %dma_start3A_137 = tpu.memref_slice %arg5[%run_scoped3A, %dma_start3A_136] : memref<4x800xi32, #tpu.memory_space<vmem>> -> memref<1x800xi32, #tpu.memory_space<vmem>>
      %dma_start3A_138 = tpu.memref_squeeze %dma_start3A_137 : memref<1x800xi32, #tpu.memory_space<vmem>> -> memref<800xi32, #tpu.memory_space<vmem>>
      %dma_start3A_139 = tpu.memref_slice %arg2[%add3A_4] : memref<3276800xi32, #tpu.memory_space<hbm>> -> memref<800xi32, #tpu.memory_space<hbm>>
      tpu.enqueue_dma source(%dma_start3A_139 : memref<800xi32, #tpu.memory_space<hbm>>) target(%dma_start3A_138 : memref<800xi32, #tpu.memory_space<vmem>>) target_semaphore(%run_scoped3A_131 : memref<!tpu.dma_semaphore, #tpu.memory_space<semaphore_mem>>)
      %dma_wait3A_140 = arith.constant 0 : i32
      %dma_wait3A_141 = tpu.memref_slice %arg5[%run_scoped3A, %dma_wait3A_140] : memref<4x800xi32, #tpu.memory_space<vmem>> -> memref<1x800xi32, #tpu.memory_space<vmem>>
      %dma_wait3A_142 = tpu.memref_squeeze %dma_wait3A_141 : memref<1x800xi32, #tpu.memory_space<vmem>> -> memref<800xi32, #tpu.memory_space<vmem>>
      %dma_wait3A_143 = tpu.memref_slice %arg2[%add3A_4] : memref<3276800xi32, #tpu.memory_space<hbm>> -> memref<800xi32, #tpu.memory_space<hbm>>
      %dma_wait3A_144 = arith.constant 0 : i32
      %dma_wait3A_145 = tpu.memref_slice %arg5[%run_scoped3A, %dma_wait3A_144] : memref<4x800xi32, #tpu.memory_space<vmem>> -> memref<1x800xi32, #tpu.memory_space<vmem>>
      %dma_wait3A_146 = tpu.memref_squeeze %dma_wait3A_145 : memref<1x800xi32, #tpu.memory_space<vmem>> -> memref<800xi32, #tpu.memory_space<vmem>>
      %dma_wait3A_147 = tpu.memref_slice %arg2[%add3A_4] : memref<3276800xi32, #tpu.memory_space<hbm>> -> memref<800xi32, #tpu.memory_space<hbm>>
      tpu.wait_dma2 semaphore(%run_scoped3A_131 : memref<!tpu.dma_semaphore, #tpu.memory_space<semaphore_mem>>) src(%dma_wait3A_147 : memref<800xi32, #tpu.memory_space<hbm>>) dst(%dma_wait3A_146 : memref<800xi32, #tpu.memory_space<vmem>>)
      tpu.yield
    }) : () -> ()
    %dma_start3A = arith.constant 0 : i32
    %dma_start3A_5 = arith.constant 0 : i32
    %dma_start3A_6 = arith.constant 0 : i32
    %dma_start3A_7 = arith.constant 0 : i32
    %dma_start3A_8 = arith.constant 0 : i32
    %dma_start3A_9 = tpu.memref_slice %arg6[%dma_start3A_5, %dma_start3A_7, %dma_start3A_8] : memref<4x800x32xf32, #tpu.memory_space<vmem>> -> memref<1x800x32xf32, #tpu.memory_space<vmem>>
    %dma_start3A_10 = tpu.memref_squeeze %dma_start3A_9 : memref<1x800x32xf32, #tpu.memory_space<vmem>> -> memref<800x32xf32, #tpu.memory_space<vmem>>
    %dma_start3A_11 = arith.constant 0 : i32
    %dma_start3A_12 = tpu.memref_slice %arg5[%dma_start3A, %dma_start3A_11] : memref<4x800xi32, #tpu.memory_space<vmem>> -> memref<1x800xi32, #tpu.memory_space<vmem>>
    %dma_start3A_13 = tpu.memref_squeeze %dma_start3A_12 : memref<1x800xi32, #tpu.memory_space<vmem>> -> memref<800xi32, #tpu.memory_space<vmem>>
    %dma_start3A_14 = arith.constant 0 : i32
    %dma_start3A_15 = arith.constant 0 : i32
    %dma_start3A_16 = tpu.memref_slice %arg3[%dma_start3A_14, %dma_start3A_15] : memref<1000000x32xf32, #tpu.memory_space<hbm>> -> memref<1000000x32xf32, #tpu.memory_space<hbm>>
    %dma_start3A_17 = tpu.memref_slice %arg7[%dma_start3A_6] : memref<4x!tpu.dma_semaphore, #tpu.memory_space<semaphore_mem>> -> memref<1x!tpu.dma_semaphore, #tpu.memory_space<semaphore_mem>>
    %dma_start3A_18 = tpu.memref_squeeze %dma_start3A_17 : memref<1x!tpu.dma_semaphore, #tpu.memory_space<semaphore_mem>> -> memref<!tpu.dma_semaphore, #tpu.memory_space<semaphore_mem>>
    tpu.enqueue_indirect_dma source(%dma_start3A_16 : memref<1000000x32xf32, #tpu.memory_space<hbm>>) target(%dma_start3A_10 : memref<800x32xf32, #tpu.memory_space<vmem>>) offsets(%dma_start3A_13 : memref<800xi32, #tpu.memory_space<vmem>>) semaphore(%dma_start3A_18 : memref<!tpu.dma_semaphore, #tpu.memory_space<semaphore_mem>>)
    %add3A_19 = arith.constant 800 : i32
    %add3A_20 = arith.addi %mul3A_2, %add3A_19 : i32
    %run_scoped3A_21 = arith.constant 1 : i32
    "tpu.region"() ({
      %run_scoped3A_131 = tpu.sem_alloc : memref<!tpu.dma_semaphore, #tpu.memory_space<semaphore_mem>>
      %dma_start3A_132 = arith.constant 0 : i32
      %dma_start3A_133 = tpu.memref_slice %arg5[%run_scoped3A_21, %dma_start3A_132] : memref<4x800xi32, #tpu.memory_space<vmem>> -> memref<1x800xi32, #tpu.memory_space<vmem>>
      %dma_start3A_134 = tpu.memref_squeeze %dma_start3A_133 : memref<1x800xi32, #tpu.memory_space<vmem>> -> memref<800xi32, #tpu.memory_space<vmem>>
      %dma_start3A_135 = tpu.memref_slice %arg2[%add3A_20] : memref<3276800xi32, #tpu.memory_space<hbm>> -> memref<800xi32, #tpu.memory_space<hbm>>
      %dma_start3A_136 = arith.constant 0 : i32
      %dma_start3A_137 = tpu.memref_slice %arg5[%run_scoped3A_21, %dma_start3A_136] : memref<4x800xi32, #tpu.memory_space<vmem>> -> memref<1x800xi32, #tpu.memory_space<vmem>>
      %dma_start3A_138 = tpu.memref_squeeze %dma_start3A_137 : memref<1x800xi32, #tpu.memory_space<vmem>> -> memref<800xi32, #tpu.memory_space<vmem>>
      %dma_start3A_139 = tpu.memref_slice %arg2[%add3A_20] : memref<3276800xi32, #tpu.memory_space<hbm>> -> memref<800xi32, #tpu.memory_space<hbm>>
      tpu.enqueue_dma source(%dma_start3A_139 : memref<800xi32, #tpu.memory_space<hbm>>) target(%dma_start3A_138 : memref<800xi32, #tpu.memory_space<vmem>>) target_semaphore(%run_scoped3A_131 : memref<!tpu.dma_semaphore, #tpu.memory_space<semaphore_mem>>)
      %dma_wait3A_140 = arith.constant 0 : i32
      %dma_wait3A_141 = tpu.memref_slice %arg5[%run_scoped3A_21, %dma_wait3A_140] : memref<4x800xi32, #tpu.memory_space<vmem>> -> memref<1x800xi32, #tpu.memory_space<vmem>>
      %dma_wait3A_142 = tpu.memref_squeeze %dma_wait3A_141 : memref<1x800xi32, #tpu.memory_space<vmem>> -> memref<800xi32, #tpu.memory_space<vmem>>
      %dma_wait3A_143 = tpu.memref_slice %arg2[%add3A_20] : memref<3276800xi32, #tpu.memory_space<hbm>> -> memref<800xi32, #tpu.memory_space<hbm>>
      %dma_wait3A_144 = arith.constant 0 : i32
      %dma_wait3A_145 = tpu.memref_slice %arg5[%run_scoped3A_21, %dma_wait3A_144] : memref<4x800xi32, #tpu.memory_space<vmem>> -> memref<1x800xi32, #tpu.memory_space<vmem>>
      %dma_wait3A_146 = tpu.memref_squeeze %dma_wait3A_145 : memref<1x800xi32, #tpu.memory_space<vmem>> -> memref<800xi32, #tpu.memory_space<vmem>>
      %dma_wait3A_147 = tpu.memref_slice %arg2[%add3A_20] : memref<3276800xi32, #tpu.memory_space<hbm>> -> memref<800xi32, #tpu.memory_space<hbm>>
      tpu.wait_dma2 semaphore(%run_scoped3A_131 : memref<!tpu.dma_semaphore, #tpu.memory_space<semaphore_mem>>) src(%dma_wait3A_147 : memref<800xi32, #tpu.memory_space<hbm>>) dst(%dma_wait3A_146 : memref<800xi32, #tpu.memory_space<vmem>>)
      tpu.yield
    }) : () -> ()
    %dma_start3A_22 = arith.constant 1 : i32
    %dma_start3A_23 = arith.constant 1 : i32
    %dma_start3A_24 = arith.constant 1 : i32
    %dma_start3A_25 = arith.constant 0 : i32
    %dma_start3A_26 = arith.constant 0 : i32
    %dma_start3A_27 = tpu.memref_slice %arg6[%dma_start3A_23, %dma_start3A_25, %dma_start3A_26] : memref<4x800x32xf32, #tpu.memory_space<vmem>> -> memref<1x800x32xf32, #tpu.memory_space<vmem>>
    %dma_start3A_28 = tpu.memref_squeeze %dma_start3A_27 : memref<1x800x32xf32, #tpu.memory_space<vmem>> -> memref<800x32xf32, #tpu.memory_space<vmem>>
    %dma_start3A_29 = arith.constant 0 : i32
    %dma_start3A_30 = tpu.memref_slice %arg5[%dma_start3A_22, %dma_start3A_29] : memref<4x800xi32, #tpu.memory_space<vmem>> -> memref<1x800xi32, #tpu.memory_space<vmem>>
    %dma_start3A_31 = tpu.memref_squeeze %dma_start3A_30 : memref<1x800xi32, #tpu.memory_space<vmem>> -> memref<800xi32, #tpu.memory_space<vmem>>
    %dma_start3A_32 = arith.constant 0 : i32
    %dma_start3A_33 = arith.constant 0 : i32
    %dma_start3A_34 = tpu.memref_slice %arg3[%dma_start3A_32, %dma_start3A_33] : memref<1000000x32xf32, #tpu.memory_space<hbm>> -> memref<1000000x32xf32, #tpu.memory_space<hbm>>
    %dma_start3A_35 = tpu.memref_slice %arg7[%dma_start3A_24] : memref<4x!tpu.dma_semaphore, #tpu.memory_space<semaphore_mem>> -> memref<1x!tpu.dma_semaphore, #tpu.memory_space<semaphore_mem>>
    %dma_start3A_36 = tpu.memref_squeeze %dma_start3A_35 : memref<1x!tpu.dma_semaphore, #tpu.memory_space<semaphore_mem>> -> memref<!tpu.dma_semaphore, #tpu.memory_space<semaphore_mem>>
    tpu.enqueue_indirect_dma source(%dma_start3A_34 : memref<1000000x32xf32, #tpu.memory_space<hbm>>) target(%dma_start3A_28 : memref<800x32xf32, #tpu.memory_space<vmem>>) offsets(%dma_start3A_31 : memref<800xi32, #tpu.memory_space<vmem>>) semaphore(%dma_start3A_36 : memref<!tpu.dma_semaphore, #tpu.memory_space<semaphore_mem>>)
    %add3A_37 = arith.constant 1600 : i32
    %add3A_38 = arith.addi %mul3A_2, %add3A_37 : i32
    %run_scoped3A_39 = arith.constant 2 : i32
    "tpu.region"() ({
      %run_scoped3A_131 = tpu.sem_alloc : memref<!tpu.dma_semaphore, #tpu.memory_space<semaphore_mem>>
      %dma_start3A_132 = arith.constant 0 : i32
      %dma_start3A_133 = tpu.memref_slice %arg5[%run_scoped3A_39, %dma_start3A_132] : memref<4x800xi32, #tpu.memory_space<vmem>> -> memref<1x800xi32, #tpu.memory_space<vmem>>
      %dma_start3A_134 = tpu.memref_squeeze %dma_start3A_133 : memref<1x800xi32, #tpu.memory_space<vmem>> -> memref<800xi32, #tpu.memory_space<vmem>>
      %dma_start3A_135 = tpu.memref_slice %arg2[%add3A_38] : memref<3276800xi32, #tpu.memory_space<hbm>> -> memref<800xi32, #tpu.memory_space<hbm>>
      %dma_start3A_136 = arith.constant 0 : i32
      %dma_start3A_137 = tpu.memref_slice %arg5[%run_scoped3A_39, %dma_start3A_136] : memref<4x800xi32, #tpu.memory_space<vmem>> -> memref<1x800xi32, #tpu.memory_space<vmem>>
      %dma_start3A_138 = tpu.memref_squeeze %dma_start3A_137 : memref<1x800xi32, #tpu.memory_space<vmem>> -> memref<800xi32, #tpu.memory_space<vmem>>
      %dma_start3A_139 = tpu.memref_slice %arg2[%add3A_38] : memref<3276800xi32, #tpu.memory_space<hbm>> -> memref<800xi32, #tpu.memory_space<hbm>>
      tpu.enqueue_dma source(%dma_start3A_139 : memref<800xi32, #tpu.memory_space<hbm>>) target(%dma_start3A_138 : memref<800xi32, #tpu.memory_space<vmem>>) target_semaphore(%run_scoped3A_131 : memref<!tpu.dma_semaphore, #tpu.memory_space<semaphore_mem>>)
      %dma_wait3A_140 = arith.constant 0 : i32
      %dma_wait3A_141 = tpu.memref_slice %arg5[%run_scoped3A_39, %dma_wait3A_140] : memref<4x800xi32, #tpu.memory_space<vmem>> -> memref<1x800xi32, #tpu.memory_space<vmem>>
      %dma_wait3A_142 = tpu.memref_squeeze %dma_wait3A_141 : memref<1x800xi32, #tpu.memory_space<vmem>> -> memref<800xi32, #tpu.memory_space<vmem>>
      %dma_wait3A_143 = tpu.memref_slice %arg2[%add3A_38] : memref<3276800xi32, #tpu.memory_space<hbm>> -> memref<800xi32, #tpu.memory_space<hbm>>
      %dma_wait3A_144 = arith.constant 0 : i32
      %dma_wait3A_145 = tpu.memref_slice %arg5[%run_scoped3A_39, %dma_wait3A_144] : memref<4x800xi32, #tpu.memory_space<vmem>> -> memref<1x800xi32, #tpu.memory_space<vmem>>
      %dma_wait3A_146 = tpu.memref_squeeze %dma_wait3A_145 : memref<1x800xi32, #tpu.memory_space<vmem>> -> memref<800xi32, #tpu.memory_space<vmem>>
      %dma_wait3A_147 = tpu.memref_slice %arg2[%add3A_38] : memref<3276800xi32, #tpu.memory_space<hbm>> -> memref<800xi32, #tpu.memory_space<hbm>>
      tpu.wait_dma2 semaphore(%run_scoped3A_131 : memref<!tpu.dma_semaphore, #tpu.memory_space<semaphore_mem>>) src(%dma_wait3A_147 : memref<800xi32, #tpu.memory_space<hbm>>) dst(%dma_wait3A_146 : memref<800xi32, #tpu.memory_space<vmem>>)
      tpu.yield
    }) : () -> ()
    %dma_start3A_40 = arith.constant 2 : i32
    %dma_start3A_41 = arith.constant 2 : i32
    %dma_start3A_42 = arith.constant 2 : i32
    %dma_start3A_43 = arith.constant 0 : i32
    %dma_start3A_44 = arith.constant 0 : i32
    %dma_start3A_45 = tpu.memref_slice %arg6[%dma_start3A_41, %dma_start3A_43, %dma_start3A_44] : memref<4x800x32xf32, #tpu.memory_space<vmem>> -> memref<1x800x32xf32, #tpu.memory_space<vmem>>
    %dma_start3A_46 = tpu.memref_squeeze %dma_start3A_45 : memref<1x800x32xf32, #tpu.memory_space<vmem>> -> memref<800x32xf32, #tpu.memory_space<vmem>>
    %dma_start3A_47 = arith.constant 0 : i32
    %dma_start3A_48 = tpu.memref_slice %arg5[%dma_start3A_40, %dma_start3A_47] : memref<4x800xi32, #tpu.memory_space<vmem>> -> memref<1x800xi32, #tpu.memory_space<vmem>>
    %dma_start3A_49 = tpu.memref_squeeze %dma_start3A_48 : memref<1x800xi32, #tpu.memory_space<vmem>> -> memref<800xi32, #tpu.memory_space<vmem>>
    %dma_start3A_50 = arith.constant 0 : i32
    %dma_start3A_51 = arith.constant 0 : i32
    %dma_start3A_52 = tpu.memref_slice %arg3[%dma_start3A_50, %dma_start3A_51] : memref<1000000x32xf32, #tpu.memory_space<hbm>> -> memref<1000000x32xf32, #tpu.memory_space<hbm>>
    %dma_start3A_53 = tpu.memref_slice %arg7[%dma_start3A_42] : memref<4x!tpu.dma_semaphore, #tpu.memory_space<semaphore_mem>> -> memref<1x!tpu.dma_semaphore, #tpu.memory_space<semaphore_mem>>
    %dma_start3A_54 = tpu.memref_squeeze %dma_start3A_53 : memref<1x!tpu.dma_semaphore, #tpu.memory_space<semaphore_mem>> -> memref<!tpu.dma_semaphore, #tpu.memory_space<semaphore_mem>>
    tpu.enqueue_indirect_dma source(%dma_start3A_52 : memref<1000000x32xf32, #tpu.memory_space<hbm>>) target(%dma_start3A_46 : memref<800x32xf32, #tpu.memory_space<vmem>>) offsets(%dma_start3A_49 : memref<800xi32, #tpu.memory_space<vmem>>) semaphore(%dma_start3A_54 : memref<!tpu.dma_semaphore, #tpu.memory_space<semaphore_mem>>)
    %scan3A = arith.constant 0 : i32
    %scan3A_55 = arith.constant 0 : i32
    %scan3A_56 = arith.constant 32 : i32
    %scan3A_57 = arith.addi %scan3A_55, %scan3A_56 : i32
    %scan3A_58 = arith.constant 1 : i32
    scf.for %scan3A_131 = %scan3A_55 to %scan3A_57 step %scan3A_58  : i32 {
      %mul3A_132 = arith.constant 4 : i32
      %mul3A_133 = arith.muli %scan3A_131, %mul3A_132 : i32
      %add3A_134 = arith.constant 0 : i32
      %add3A_135 = arith.addi %mul3A_133, %add3A_134 : i32
      %mul3A_136 = arith.constant 800 : i32
      %mul3A_137 = arith.muli %add3A_135, %mul3A_136 : i32
      %add3A_138 = arith.addi %mul3A_2, %mul3A_137 : i32
      %dma_wait3A_139 = arith.constant 0 : i32
      %dma_wait3A_140 = arith.constant 0 : i32
      %dma_wait3A_141 = arith.constant 0 : i32
      %dma_wait3A_142 = arith.constant 0 : i32
      %dma_wait3A_143 = arith.constant 0 : i32
      %dma_wait3A_144 = tpu.memref_slice %arg6[%dma_wait3A_140, %dma_wait3A_142, %dma_wait3A_143] : memref<4x800x32xf32, #tpu.memory_space<vmem>> -> memref<1x800x32xf32, #tpu.memory_space<vmem>>
      %dma_wait3A_145 = tpu.memref_squeeze %dma_wait3A_144 : memref<1x800x32xf32, #tpu.memory_space<vmem>> -> memref<800x32xf32, #tpu.memory_space<vmem>>
      %dma_wait3A_146 = arith.constant 0 : i32
      %dma_wait3A_147 = tpu.memref_slice %arg5[%dma_wait3A_139, %dma_wait3A_146] : memref<4x800xi32, #tpu.memory_space<vmem>> -> memref<1x800xi32, #tpu.memory_space<vmem>>
      %dma_wait3A_148 = tpu.memref_squeeze %dma_wait3A_147 : memref<1x800xi32, #tpu.memory_space<vmem>> -> memref<800xi32, #tpu.memory_space<vmem>>
      %dma_wait3A_149 = arith.constant 0 : i32
      %dma_wait3A_150 = arith.constant 0 : i32
      %dma_wait3A_151 = tpu.memref_slice %arg3[%dma_wait3A_149, %dma_wait3A_150] : memref<1000000x32xf32, #tpu.memory_space<hbm>> -> memref<1000000x32xf32, #tpu.memory_space<hbm>>
      %dma_wait3A_152 = tpu.memref_slice %arg7[%dma_wait3A_141] : memref<4x!tpu.dma_semaphore, #tpu.memory_space<semaphore_mem>> -> memref<1x!tpu.dma_semaphore, #tpu.memory_space<semaphore_mem>>
      %dma_wait3A_153 = tpu.memref_squeeze %dma_wait3A_152 : memref<1x!tpu.dma_semaphore, #tpu.memory_space<semaphore_mem>> -> memref<!tpu.dma_semaphore, #tpu.memory_space<semaphore_mem>>
      tpu.wait_indirect_dma semaphore(%dma_wait3A_153 : memref<!tpu.dma_semaphore, #tpu.memory_space<semaphore_mem>>) src(%dma_wait3A_151 : memref<1000000x32xf32, #tpu.memory_space<hbm>>) dst(%dma_wait3A_145 : memref<800x32xf32, #tpu.memory_space<vmem>>)
      %parallel_loop3A = arith.constant 0 : i32
      %parallel_loop3A_154 = arith.constant 800 : i32
      %parallel_loop3A_155 = arith.constant 1 : i32
      scf.for %parallel_loop3A_314 = %parallel_loop3A to %parallel_loop3A_154 step %parallel_loop3A_155  : i32 {
        %parallel_loop3A_315 = arith.constant 0 : i32
        %parallel_loop3A_316 = arith.index_cast %parallel_loop3A_315 : i32 to index
        %parallel_loop3A_317 = arith.index_cast %parallel_loop3A_314 : i32 to index
        %parallel_loop3A_318 = arith.constant 0 : index
        %parallel_loop3A_319 = tpu.vector_load %arg6[%parallel_loop3A_316, %parallel_loop3A_317, %parallel_loop3A_318] {strides = array<i32>} : memref<4x800x32xf32, #tpu.memory_space<vmem>>, vector<1x1x16xf32>,
        %parallel_loop3A_320 = vector.shape_cast %parallel_loop3A_319 : vector<1x1x16xf32> to vector<16xf32>
        %parallel_loop3A_321 = arith.constant 5.65685415 : f32
        %parallel_loop3A_322 = vector.broadcast %parallel_loop3A_321 : f32 to vector<16xf32>
        %parallel_loop3A_323 = arith.mulf %parallel_loop3A_320, %parallel_loop3A_322 : vector<16xf32>
        %parallel_loop3A_324 = arith.constant 0 : i32
        %parallel_loop3A_325 = arith.index_cast %parallel_loop3A_324 : i32 to index
        %parallel_loop3A_326 = arith.index_cast %parallel_loop3A_314 : i32 to index
        %parallel_loop3A_327 = arith.constant 0 : index
        %parallel_loop3A_328 = tpu.vector_load %arg6[%parallel_loop3A_325, %parallel_loop3A_326, %parallel_loop3A_327] {strides = array<i32>} : memref<4x800x32xf32, #tpu.memory_space<vmem>>, vector<1x1x16xf32>,
        %parallel_loop3A_329 = vector.shape_cast %parallel_loop3A_328 : vector<1x1x16xf32> to vector<16xf32>
        %parallel_loop3A_330 = vector.shape_cast %parallel_loop3A_323 : vector<16xf32> to vector<1x1x16xf32>
        tpu.vector_store %arg6[%parallel_loop3A_325, %parallel_loop3A_326, %parallel_loop3A_327], %parallel_loop3A_330 {strides = array<i32>} : memref<4x800x32xf32, #tpu.memory_space<vmem>>, vector<1x1x16xf32>,
        %parallel_loop3A_331 = arith.constant 0 : i32
        %parallel_loop3A_332 = arith.index_cast %parallel_loop3A_331 : i32 to index
        %parallel_loop3A_333 = arith.index_cast %parallel_loop3A_314 : i32 to index
        %parallel_loop3A_334 = arith.constant 16 : index
        %parallel_loop3A_335 = tpu.vector_load %arg6[%parallel_loop3A_332, %parallel_loop3A_333, %parallel_loop3A_334] {strides = array<i32>} : memref<4x800x32xf32, #tpu.memory_space<vmem>>, vector<1x1x16xf32>,
        %parallel_loop3A_336 = vector.shape_cast %parallel_loop3A_335 : vector<1x1x16xf32> to vector<16xf32>
        %parallel_loop3A_337 = arith.constant 5.65685415 : f32
        %parallel_loop3A_338 = vector.broadcast %parallel_loop3A_337 : f32 to vector<16xf32>
        %parallel_loop3A_339 = arith.mulf %parallel_loop3A_336, %parallel_loop3A_338 : vector<16xf32>
        %parallel_loop3A_340 = arith.constant 0 : i32
        %parallel_loop3A_341 = arith.index_cast %parallel_loop3A_340 : i32 to index
        %parallel_loop3A_342 = arith.index_cast %parallel_loop3A_314 : i32 to index
        %parallel_loop3A_343 = arith.constant 16 : index
        %parallel_loop3A_344 = tpu.vector_load %arg6[%parallel_loop3A_341, %parallel_loop3A_342, %parallel_loop3A_343] {strides = array<i32>} : memref<4x800x32xf32, #tpu.memory_space<vmem>>, vector<1x1x16xf32>,
        %parallel_loop3A_345 = vector.shape_cast %parallel_loop3A_344 : vector<1x1x16xf32> to vector<16xf32>
        %parallel_loop3A_346 = vector.shape_cast %parallel_loop3A_339 : vector<16xf32> to vector<1x1x16xf32>
        tpu.vector_store %arg6[%parallel_loop3A_341, %parallel_loop3A_342, %parallel_loop3A_343], %parallel_loop3A_346 {strides = array<i32>} : memref<4x800x32xf32, #tpu.memory_space<vmem>>, vector<1x1x16xf32>,
      } {sc.loop_unroll_factor = 8 : i64, sc.parallel_access}
      %dma_start3A_156 = arith.constant 0 : i32
      %dma_start3A_157 = arith.constant 0 : i32
      %dma_start3A_158 = arith.constant 0 : i32
      %dma_start3A_159 = arith.constant 0 : i32
      %dma_start3A_160 = tpu.memref_slice %arg6[%dma_start3A_156, %dma_start3A_158, %dma_start3A_159] : memref<4x800x32xf32, #tpu.memory_space<vmem>> -> memref<1x800x32xf32, #tpu.memory_space<vmem>>
      %dma_start3A_161 = tpu.memref_squeeze %dma_start3A_160 : memref<1x800x32xf32, #tpu.memory_space<vmem>> -> memref<800x32xf32, #tpu.memory_space<vmem>>
      %dma_start3A_162 = arith.constant 0 : i32
      %dma_start3A_163 = tpu.memref_slice %arg4[%add3A_138, %dma_start3A_162] : memref<3276800x32xf32, #tpu.memory_space<hbm>> -> memref<800x32xf32, #tpu.memory_space<hbm>>
      %dma_start3A_164 = tpu.memref_slice %arg8[%dma_start3A_157] : memref<4x!tpu.dma_semaphore, #tpu.memory_space<semaphore_mem>> -> memref<1x!tpu.dma_semaphore, #tpu.memory_space<semaphore_mem>>
      %dma_start3A_165 = tpu.memref_squeeze %dma_start3A_164 : memref<1x!tpu.dma_semaphore, #tpu.memory_space<semaphore_mem>> -> memref<!tpu.dma_semaphore, #tpu.memory_space<semaphore_mem>>
      %dma_start3A_166 = arith.constant 0 : i32
      %dma_start3A_167 = tpu.memref_slice %arg4[%add3A_138, %dma_start3A_166] : memref<3276800x32xf32, #tpu.memory_space<hbm>> -> memref<800x32xf32, #tpu.memory_space<hbm>>
      %dma_start3A_168 = arith.constant 0 : i32
      %dma_start3A_169 = arith.constant 0 : i32
      %dma_start3A_170 = tpu.memref_slice %arg6[%dma_start3A_156, %dma_start3A_168, %dma_start3A_169] : memref<4x800x32xf32, #tpu.memory_space<vmem>> -> memref<1x800x32xf32, #tpu.memory_space<vmem>>
      %dma_start3A_171 = tpu.memref_squeeze %dma_start3A_170 : memref<1x800x32xf32, #tpu.memory_space<vmem>> -> memref<800x32xf32, #tpu.memory_space<vmem>>
      tpu.enqueue_dma source(%dma_start3A_171 : memref<800x32xf32, #tpu.memory_space<vmem>>) target(%dma_start3A_167 : memref<800x32xf32, #tpu.memory_space<hbm>>) target_semaphore(%dma_start3A_165 : memref<!tpu.dma_semaphore, #tpu.memory_space<semaphore_mem>>)
      %add3A_172 = arith.constant 3 : i32
      %add3A_173 = arith.addi %add3A_135, %add3A_172 : i32
      %lt3A = arith.constant 128 : i32
      %lt3A_174 = arith.cmpi slt, %add3A_173, %lt3A : i32
      %convert_element_type3A = arith.extui %lt3A_174 : i1 to i32
      %cond3A = arith.constant 0 : i32
      %cond3A_175 = arith.cmpi ne, %convert_element_type3A, %cond3A : i32
      scf.if %cond3A_175 {
        %add3A_314 = arith.constant 3 : i32
        %add3A_315 = arith.addi %add3A_135, %add3A_314 : i32
        %ge3A = arith.constant 4 : i32
        %ge3A_316 = arith.cmpi sge, %add3A_315, %ge3A : i32
        %convert_element_type3A_317 = arith.extui %ge3A_316 : i1 to i32
        %cond3A_318 = arith.constant 0 : i32
        %cond3A_319 = arith.cmpi ne, %convert_element_type3A_317, %cond3A_318 : i32
        scf.if %cond3A_319 {
          %dma_wait3A_341 = arith.constant 3 : i32
          %dma_wait3A_342 = arith.constant 3 : i32
          %dma_wait3A_343 = arith.constant 0 : i32
          %dma_wait3A_344 = arith.constant 0 : i32
          %dma_wait3A_345 = tpu.memref_slice %arg6[%dma_wait3A_341, %dma_wait3A_343, %dma_wait3A_344] : memref<4x800x32xf32, #tpu.memory_space<vmem>> -> memref<1x800x32xf32, #tpu.memory_space<vmem>>
          %dma_wait3A_346 = tpu.memref_squeeze %dma_wait3A_345 : memref<1x800x32xf32, #tpu.memory_space<vmem>> -> memref<800x32xf32, #tpu.memory_space<vmem>>
          %dma_wait3A_347 = arith.constant 0 : i32
          %dma_wait3A_348 = tpu.memref_slice %arg4[%add3A_138, %dma_wait3A_347] : memref<3276800x32xf32, #tpu.memory_space<hbm>> -> memref<800x32xf32, #tpu.memory_space<hbm>>
          %dma_wait3A_349 = tpu.memref_slice %arg8[%dma_wait3A_342] : memref<4x!tpu.dma_semaphore, #tpu.memory_space<semaphore_mem>> -> memref<1x!tpu.dma_semaphore, #tpu.memory_space<semaphore_mem>>
          %dma_wait3A_350 = tpu.memref_squeeze %dma_wait3A_349 : memref<1x!tpu.dma_semaphore, #tpu.memory_space<semaphore_mem>> -> memref<!tpu.dma_semaphore, #tpu.memory_space<semaphore_mem>>
          %dma_wait3A_351 = arith.constant 0 : i32
          %dma_wait3A_352 = tpu.memref_slice %arg4[%add3A_138, %dma_wait3A_351] : memref<3276800x32xf32, #tpu.memory_space<hbm>> -> memref<800x32xf32, #tpu.memory_space<hbm>>
          %dma_wait3A_353 = arith.constant 0 : i32
          %dma_wait3A_354 = arith.constant 0 : i32
          %dma_wait3A_355 = tpu.memref_slice %arg6[%dma_wait3A_341, %dma_wait3A_353, %dma_wait3A_354] : memref<4x800x32xf32, #tpu.memory_space<vmem>> -> memref<1x800x32xf32, #tpu.memory_space<vmem>>
          %dma_wait3A_356 = tpu.memref_squeeze %dma_wait3A_355 : memref<1x800x32xf32, #tpu.memory_space<vmem>> -> memref<800x32xf32, #tpu.memory_space<vmem>>
          tpu.wait_dma2 semaphore(%dma_wait3A_350 : memref<!tpu.dma_semaphore, #tpu.memory_space<semaphore_mem>>) src(%dma_wait3A_356 : memref<800x32xf32, #tpu.memory_space<vmem>>) dst(%dma_wait3A_352 : memref<800x32xf32, #tpu.memory_space<hbm>>)
        } else {
        }
        %add3A_320 = arith.constant 3 : i32
        %add3A_321 = arith.addi %add3A_135, %add3A_320 : i32
        %mul3A_322 = arith.constant 800 : i32
        %mul3A_323 = arith.muli %add3A_321, %mul3A_322 : i32
        %add3A_324 = arith.addi %mul3A_2, %mul3A_323 : i32
        %run_scoped3A_325 = arith.constant 3 : i32
        "tpu.region"() ({
          %run_scoped3A_341 = tpu.sem_alloc : memref<!tpu.dma_semaphore, #tpu.memory_space<semaphore_mem>>
          %dma_start3A_342 = arith.constant 0 : i32
          %dma_start3A_343 = tpu.memref_slice %arg5[%run_scoped3A_325, %dma_start3A_342] : memref<4x800xi32, #tpu.memory_space<vmem>> -> memref<1x800xi32, #tpu.memory_space<vmem>>
          %dma_start3A_344 = tpu.memref_squeeze %dma_start3A_343 : memref<1x800xi32, #tpu.memory_space<vmem>> -> memref<800xi32, #tpu.memory_space<vmem>>
          %dma_start3A_345 = tpu.memref_slice %arg2[%add3A_324] : memref<3276800xi32, #tpu.memory_space<hbm>> -> memref<800xi32, #tpu.memory_space<hbm>>
          %dma_start3A_346 = arith.constant 0 : i32
          %dma_start3A_347 = tpu.memref_slice %arg5[%run_scoped3A_325, %dma_start3A_346] : memref<4x800xi32, #tpu.memory_space<vmem>> -> memref<1x800xi32, #tpu.memory_space<vmem>>
          %dma_start3A_348 = tpu.memref_squeeze %dma_start3A_347 : memref<1x800xi32, #tpu.memory_space<vmem>> -> memref<800xi32, #tpu.memory_space<vmem>>
          %dma_start3A_349 = tpu.memref_slice %arg2[%add3A_324] : memref<3276800xi32, #tpu.memory_space<hbm>> -> memref<800xi32, #tpu.memory_space<hbm>>
          tpu.enqueue_dma source(%dma_start3A_349 : memref<800xi32, #tpu.memory_space<hbm>>) target(%dma_start3A_348 : memref<800xi32, #tpu.memory_space<vmem>>) target_semaphore(%run_scoped3A_341 : memref<!tpu.dma_semaphore, #tpu.memory_space<semaphore_mem>>)
          %dma_wait3A_350 = arith.constant 0 : i32
          %dma_wait3A_351 = tpu.memref_slice %arg5[%run_scoped3A_325, %dma_wait3A_350] : memref<4x800xi32, #tpu.memory_space<vmem>> -> memref<1x800xi32, #tpu.memory_space<vmem>>
          %dma_wait3A_352 = tpu.memref_squeeze %dma_wait3A_351 : memref<1x800xi32, #tpu.memory_space<vmem>> -> memref<800xi32, #tpu.memory_space<vmem>>
          %dma_wait3A_353 = tpu.memref_slice %arg2[%add3A_324] : memref<3276800xi32, #tpu.memory_space<hbm>> -> memref<800xi32, #tpu.memory_space<hbm>>
          %dma_wait3A_354 = arith.constant 0 : i32
          %dma_wait3A_355 = tpu.memref_slice %arg5[%run_scoped3A_325, %dma_wait3A_354] : memref<4x800xi32, #tpu.memory_space<vmem>> -> memref<1x800xi32, #tpu.memory_space<vmem>>
          %dma_wait3A_356 = tpu.memref_squeeze %dma_wait3A_355 : memref<1x800xi32, #tpu.memory_space<vmem>> -> memref<800xi32, #tpu.memory_space<vmem>>
          %dma_wait3A_357 = tpu.memref_slice %arg2[%add3A_324] : memref<3276800xi32, #tpu.memory_space<hbm>> -> memref<800xi32, #tpu.memory_space<hbm>>
          tpu.wait_dma2 semaphore(%run_scoped3A_341 : memref<!tpu.dma_semaphore, #tpu.memory_space<semaphore_mem>>) src(%dma_wait3A_357 : memref<800xi32, #tpu.memory_space<hbm>>) dst(%dma_wait3A_356 : memref<800xi32, #tpu.memory_space<vmem>>)
          tpu.yield
        }) : () -> ()
        %dma_start3A_326 = arith.constant 3 : i32
        %dma_start3A_327 = arith.constant 3 : i32
        %dma_start3A_328 = arith.constant 3 : i32
        %dma_start3A_329 = arith.constant 0 : i32
        %dma_start3A_330 = arith.constant 0 : i32
        %dma_start3A_331 = tpu.memref_slice %arg6[%dma_start3A_327, %dma_start3A_329, %dma_start3A_330] : memref<4x800x32xf32, #tpu.memory_space<vmem>> -> memref<1x800x32xf32, #tpu.memory_space<vmem>>
        %dma_start3A_332 = tpu.memref_squeeze %dma_start3A_331 : memref<1x800x32xf32, #tpu.memory_space<vmem>> -> memref<800x32xf32, #tpu.memory_space<vmem>>
        %dma_start3A_333 = arith.constant 0 : i32
        %dma_start3A_334 = tpu.memref_slice %arg5[%dma_start3A_326, %dma_start3A_333] : memref<4x800xi32, #tpu.memory_space<vmem>> -> memref<1x800xi32, #tpu.memory_space<vmem>>
        %dma_start3A_335 = tpu.memref_squeeze %dma_start3A_334 : memref<1x800xi32, #tpu.memory_space<vmem>> -> memref<800xi32, #tpu.memory_space<vmem>>
        %dma_start3A_336 = arith.constant 0 : i32
        %dma_start3A_337 = arith.constant 0 : i32
        %dma_start3A_338 = tpu.memref_slice %arg3[%dma_start3A_336, %dma_start3A_337] : memref<1000000x32xf32, #tpu.memory_space<hbm>> -> memref<1000000x32xf32, #tpu.memory_space<hbm>>
        %dma_start3A_339 = tpu.memref_slice %arg7[%dma_start3A_328] : memref<4x!tpu.dma_semaphore, #tpu.memory_space<semaphore_mem>> -> memref<1x!tpu.dma_semaphore, #tpu.memory_space<semaphore_mem>>
        %dma_start3A_340 = tpu.memref_squeeze %dma_start3A_339 : memref<1x!tpu.dma_semaphore, #tpu.memory_space<semaphore_mem>> -> memref<!tpu.dma_semaphore, #tpu.memory_space<semaphore_mem>>
        tpu.enqueue_indirect_dma source(%dma_start3A_338 : memref<1000000x32xf32, #tpu.memory_space<hbm>>) target(%dma_start3A_332 : memref<800x32xf32, #tpu.memory_space<vmem>>) offsets(%dma_start3A_335 : memref<800xi32, #tpu.memory_space<vmem>>) semaphore(%dma_start3A_340 : memref<!tpu.dma_semaphore, #tpu.memory_space<semaphore_mem>>)
      } else {
      }
      %add3A_176 = arith.constant 1 : i32
      %add3A_177 = arith.addi %mul3A_133, %add3A_176 : i32
      %mul3A_178 = arith.constant 800 : i32
      %mul3A_179 = arith.muli %add3A_177, %mul3A_178 : i32
      %add3A_180 = arith.addi %mul3A_2, %mul3A_179 : i32
      %dma_wait3A_181 = arith.constant 1 : i32
      %dma_wait3A_182 = arith.constant 1 : i32
      %dma_wait3A_183 = arith.constant 1 : i32
      %dma_wait3A_184 = arith.constant 0 : i32
      %dma_wait3A_185 = arith.constant 0 : i32
      %dma_wait3A_186 = tpu.memref_slice %arg6[%dma_wait3A_182, %dma_wait3A_184, %dma_wait3A_185] : memref<4x800x32xf32, #tpu.memory_space<vmem>> -> memref<1x800x32xf32, #tpu.memory_space<vmem>>
      %dma_wait3A_187 = tpu.memref_squeeze %dma_wait3A_186 : memref<1x800x32xf32, #tpu.memory_space<vmem>> -> memref<800x32xf32, #tpu.memory_space<vmem>>
      %dma_wait3A_188 = arith.constant 0 : i32
      %dma_wait3A_189 = tpu.memref_slice %arg5[%dma_wait3A_181, %dma_wait3A_188] : memref<4x800xi32, #tpu.memory_space<vmem>> -> memref<1x800xi32, #tpu.memory_space<vmem>>
      %dma_wait3A_190 = tpu.memref_squeeze %dma_wait3A_189 : memref<1x800xi32, #tpu.memory_space<vmem>> -> memref<800xi32, #tpu.memory_space<vmem>>
      %dma_wait3A_191 = arith.constant 0 : i32
      %dma_wait3A_192 = arith.constant 0 : i32
      %dma_wait3A_193 = tpu.memref_slice %arg3[%dma_wait3A_191, %dma_wait3A_192] : memref<1000000x32xf32, #tpu.memory_space<hbm>> -> memref<1000000x32xf32, #tpu.memory_space<hbm>>
      %dma_wait3A_194 = tpu.memref_slice %arg7[%dma_wait3A_183] : memref<4x!tpu.dma_semaphore, #tpu.memory_space<semaphore_mem>> -> memref<1x!tpu.dma_semaphore, #tpu.memory_space<semaphore_mem>>
      %dma_wait3A_195 = tpu.memref_squeeze %dma_wait3A_194 : memref<1x!tpu.dma_semaphore, #tpu.memory_space<semaphore_mem>> -> memref<!tpu.dma_semaphore, #tpu.memory_space<semaphore_mem>>
      tpu.wait_indirect_dma semaphore(%dma_wait3A_195 : memref<!tpu.dma_semaphore, #tpu.memory_space<semaphore_mem>>) src(%dma_wait3A_193 : memref<1000000x32xf32, #tpu.memory_space<hbm>>) dst(%dma_wait3A_187 : memref<800x32xf32, #tpu.memory_space<vmem>>)
      %parallel_loop3A_196 = arith.constant 0 : i32
      %parallel_loop3A_197 = arith.constant 800 : i32
      %parallel_loop3A_198 = arith.constant 1 : i32
      scf.for %parallel_loop3A_314 = %parallel_loop3A_196 to %parallel_loop3A_197 step %parallel_loop3A_198  : i32 {
        %parallel_loop3A_315 = arith.constant 1 : i32
        %parallel_loop3A_316 = arith.index_cast %parallel_loop3A_315 : i32 to index
        %parallel_loop3A_317 = arith.index_cast %parallel_loop3A_314 : i32 to index
        %parallel_loop3A_318 = arith.constant 0 : index
        %parallel_loop3A_319 = tpu.vector_load %arg6[%parallel_loop3A_316, %parallel_loop3A_317, %parallel_loop3A_318] {strides = array<i32>} : memref<4x800x32xf32, #tpu.memory_space<vmem>>, vector<1x1x16xf32>,
        %parallel_loop3A_320 = vector.shape_cast %parallel_loop3A_319 : vector<1x1x16xf32> to vector<16xf32>
        %parallel_loop3A_321 = arith.constant 5.65685415 : f32
        %parallel_loop3A_322 = vector.broadcast %parallel_loop3A_321 : f32 to vector<16xf32>
        %parallel_loop3A_323 = arith.mulf %parallel_loop3A_320, %parallel_loop3A_322 : vector<16xf32>
        %parallel_loop3A_324 = arith.constant 1 : i32
        %parallel_loop3A_325 = arith.index_cast %parallel_loop3A_324 : i32 to index
        %parallel_loop3A_326 = arith.index_cast %parallel_loop3A_314 : i32 to index
        %parallel_loop3A_327 = arith.constant 0 : index
        %parallel_loop3A_328 = tpu.vector_load %arg6[%parallel_loop3A_325, %parallel_loop3A_326, %parallel_loop3A_327] {strides = array<i32>} : memref<4x800x32xf32, #tpu.memory_space<vmem>>, vector<1x1x16xf32>,
        %parallel_loop3A_329 = vector.shape_cast %parallel_loop3A_328 : vector<1x1x16xf32> to vector<16xf32>
        %parallel_loop3A_330 = vector.shape_cast %parallel_loop3A_323 : vector<16xf32> to vector<1x1x16xf32>
        tpu.vector_store %arg6[%parallel_loop3A_325, %parallel_loop3A_326, %parallel_loop3A_327], %parallel_loop3A_330 {strides = array<i32>} : memref<4x800x32xf32, #tpu.memory_space<vmem>>, vector<1x1x16xf32>,
        %parallel_loop3A_331 = arith.constant 1 : i32
        %parallel_loop3A_332 = arith.index_cast %parallel_loop3A_331 : i32 to index
        %parallel_loop3A_333 = arith.index_cast %parallel_loop3A_314 : i32 to index
        %parallel_loop3A_334 = arith.constant 16 : index
        %parallel_loop3A_335 = tpu.vector_load %arg6[%parallel_loop3A_332, %parallel_loop3A_333, %parallel_loop3A_334] {strides = array<i32>} : memref<4x800x32xf32, #tpu.memory_space<vmem>>, vector<1x1x16xf32>,
        %parallel_loop3A_336 = vector.shape_cast %parallel_loop3A_335 : vector<1x1x16xf32> to vector<16xf32>
        %parallel_loop3A_337 = arith.constant 5.65685415 : f32
        %parallel_loop3A_338 = vector.broadcast %parallel_loop3A_337 : f32 to vector<16xf32>
        %parallel_loop3A_339 = arith.mulf %parallel_loop3A_336, %parallel_loop3A_338 : vector<16xf32>
        %parallel_loop3A_340 = arith.constant 1 : i32
        %parallel_loop3A_341 = arith.index_cast %parallel_loop3A_340 : i32 to index
        %parallel_loop3A_342 = arith.index_cast %parallel_loop3A_314 : i32 to index
        %parallel_loop3A_343 = arith.constant 16 : index
        %parallel_loop3A_344 = tpu.vector_load %arg6[%parallel_loop3A_341, %parallel_loop3A_342, %parallel_loop3A_343] {strides = array<i32>} : memref<4x800x32xf32, #tpu.memory_space<vmem>>, vector<1x1x16xf32>,
        %parallel_loop3A_345 = vector.shape_cast %parallel_loop3A_344 : vector<1x1x16xf32> to vector<16xf32>
        %parallel_loop3A_346 = vector.shape_cast %parallel_loop3A_339 : vector<16xf32> to vector<1x1x16xf32>
        tpu.vector_store %arg6[%parallel_loop3A_341, %parallel_loop3A_342, %parallel_loop3A_343], %parallel_loop3A_346 {strides = array<i32>} : memref<4x800x32xf32, #tpu.memory_space<vmem>>, vector<1x1x16xf32>,
      } {sc.loop_unroll_factor = 8 : i64, sc.parallel_access}
      %dma_start3A_199 = arith.constant 1 : i32
      %dma_start3A_200 = arith.constant 1 : i32
      %dma_start3A_201 = arith.constant 0 : i32
      %dma_start3A_202 = arith.constant 0 : i32
      %dma_start3A_203 = tpu.memref_slice %arg6[%dma_start3A_199, %dma_start3A_201, %dma_start3A_202] : memref<4x800x32xf32, #tpu.memory_space<vmem>> -> memref<1x800x32xf32, #tpu.memory_space<vmem>>
      %dma_start3A_204 = tpu.memref_squeeze %dma_start3A_203 : memref<1x800x32xf32, #tpu.memory_space<vmem>> -> memref<800x32xf32, #tpu.memory_space<vmem>>
      %dma_start3A_205 = arith.constant 0 : i32
      %dma_start3A_206 = tpu.memref_slice %arg4[%add3A_180, %dma_start3A_205] : memref<3276800x32xf32, #tpu.memory_space<hbm>> -> memref<800x32xf32, #tpu.memory_space<hbm>>
      %dma_start3A_207 = tpu.memref_slice %arg8[%dma_start3A_200] : memref<4x!tpu.dma_semaphore, #tpu.memory_space<semaphore_mem>> -> memref<1x!tpu.dma_semaphore, #tpu.memory_space<semaphore_mem>>
      %dma_start3A_208 = tpu.memref_squeeze %dma_start3A_207 : memref<1x!tpu.dma_semaphore, #tpu.memory_space<semaphore_mem>> -> memref<!tpu.dma_semaphore, #tpu.memory_space<semaphore_mem>>
      %dma_start3A_209 = arith.constant 0 : i32
      %dma_start3A_210 = tpu.memref_slice %arg4[%add3A_180, %dma_start3A_209] : memref<3276800x32xf32, #tpu.memory_space<hbm>> -> memref<800x32xf32, #tpu.memory_space<hbm>>
      %dma_start3A_211 = arith.constant 0 : i32
      %dma_start3A_212 = arith.constant 0 : i32
      %dma_start3A_213 = tpu.memref_slice %arg6[%dma_start3A_199, %dma_start3A_211, %dma_start3A_212] : memref<4x800x32xf32, #tpu.memory_space<vmem>> -> memref<1x800x32xf32, #tpu.memory_space<vmem>>
      %dma_start3A_214 = tpu.memref_squeeze %dma_start3A_213 : memref<1x800x32xf32, #tpu.memory_space<vmem>> -> memref<800x32xf32, #tpu.memory_space<vmem>>
      tpu.enqueue_dma source(%dma_start3A_214 : memref<800x32xf32, #tpu.memory_space<vmem>>) target(%dma_start3A_210 : memref<800x32xf32, #tpu.memory_space<hbm>>) target_semaphore(%dma_start3A_208 : memref<!tpu.dma_semaphore, #tpu.memory_space<semaphore_mem>>)
      %add3A_215 = arith.constant 3 : i32
      %add3A_216 = arith.addi %add3A_177, %add3A_215 : i32
      %lt3A_217 = arith.constant 128 : i32
      %lt3A_218 = arith.cmpi slt, %add3A_216, %lt3A_217 : i32
      %convert_element_type3A_219 = arith.extui %lt3A_218 : i1 to i32
      %cond3A_220 = arith.constant 0 : i32
      %cond3A_221 = arith.cmpi ne, %convert_element_type3A_219, %cond3A_220 : i32
      scf.if %cond3A_221 {
        %add3A_314 = arith.constant 3 : i32
        %add3A_315 = arith.addi %add3A_177, %add3A_314 : i32
        %ge3A = arith.constant 4 : i32
        %ge3A_316 = arith.cmpi sge, %add3A_315, %ge3A : i32
        %convert_element_type3A_317 = arith.extui %ge3A_316 : i1 to i32
        %cond3A_318 = arith.constant 0 : i32
        %cond3A_319 = arith.cmpi ne, %convert_element_type3A_317, %cond3A_318 : i32
        scf.if %cond3A_319 {
          %dma_wait3A_341 = arith.constant 0 : i32
          %dma_wait3A_342 = arith.constant 0 : i32
          %dma_wait3A_343 = arith.constant 0 : i32
          %dma_wait3A_344 = arith.constant 0 : i32
          %dma_wait3A_345 = tpu.memref_slice %arg6[%dma_wait3A_341, %dma_wait3A_343, %dma_wait3A_344] : memref<4x800x32xf32, #tpu.memory_space<vmem>> -> memref<1x800x32xf32, #tpu.memory_space<vmem>>
          %dma_wait3A_346 = tpu.memref_squeeze %dma_wait3A_345 : memref<1x800x32xf32, #tpu.memory_space<vmem>> -> memref<800x32xf32, #tpu.memory_space<vmem>>
          %dma_wait3A_347 = arith.constant 0 : i32
          %dma_wait3A_348 = tpu.memref_slice %arg4[%add3A_180, %dma_wait3A_347] : memref<3276800x32xf32, #tpu.memory_space<hbm>> -> memref<800x32xf32, #tpu.memory_space<hbm>>
          %dma_wait3A_349 = tpu.memref_slice %arg8[%dma_wait3A_342] : memref<4x!tpu.dma_semaphore, #tpu.memory_space<semaphore_mem>> -> memref<1x!tpu.dma_semaphore, #tpu.memory_space<semaphore_mem>>
          %dma_wait3A_350 = tpu.memref_squeeze %dma_wait3A_349 : memref<1x!tpu.dma_semaphore, #tpu.memory_space<semaphore_mem>> -> memref<!tpu.dma_semaphore, #tpu.memory_space<semaphore_mem>>
          %dma_wait3A_351 = arith.constant 0 : i32
          %dma_wait3A_352 = tpu.memref_slice %arg4[%add3A_180, %dma_wait3A_351] : memref<3276800x32xf32, #tpu.memory_space<hbm>> -> memref<800x32xf32, #tpu.memory_space<hbm>>
          %dma_wait3A_353 = arith.constant 0 : i32
          %dma_wait3A_354 = arith.constant 0 : i32
          %dma_wait3A_355 = tpu.memref_slice %arg6[%dma_wait3A_341, %dma_wait3A_353, %dma_wait3A_354] : memref<4x800x32xf32, #tpu.memory_space<vmem>> -> memref<1x800x32xf32, #tpu.memory_space<vmem>>
          %dma_wait3A_356 = tpu.memref_squeeze %dma_wait3A_355 : memref<1x800x32xf32, #tpu.memory_space<vmem>> -> memref<800x32xf32, #tpu.memory_space<vmem>>
          tpu.wait_dma2 semaphore(%dma_wait3A_350 : memref<!tpu.dma_semaphore, #tpu.memory_space<semaphore_mem>>) src(%dma_wait3A_356 : memref<800x32xf32, #tpu.memory_space<vmem>>) dst(%dma_wait3A_352 : memref<800x32xf32, #tpu.memory_space<hbm>>)
        } else {
        }
        %add3A_320 = arith.constant 3 : i32
        %add3A_321 = arith.addi %add3A_177, %add3A_320 : i32
        %mul3A_322 = arith.constant 800 : i32
        %mul3A_323 = arith.muli %add3A_321, %mul3A_322 : i32
        %add3A_324 = arith.addi %mul3A_2, %mul3A_323 : i32
        %run_scoped3A_325 = arith.constant 0 : i32
        "tpu.region"() ({
          %run_scoped3A_341 = tpu.sem_alloc : memref<!tpu.dma_semaphore, #tpu.memory_space<semaphore_mem>>
          %dma_start3A_342 = arith.constant 0 : i32
          %dma_start3A_343 = tpu.memref_slice %arg5[%run_scoped3A_325, %dma_start3A_342] : memref<4x800xi32, #tpu.memory_space<vmem>> -> memref<1x800xi32, #tpu.memory_space<vmem>>
          %dma_start3A_344 = tpu.memref_squeeze %dma_start3A_343 : memref<1x800xi32, #tpu.memory_space<vmem>> -> memref<800xi32, #tpu.memory_space<vmem>>
          %dma_start3A_345 = tpu.memref_slice %arg2[%add3A_324] : memref<3276800xi32, #tpu.memory_space<hbm>> -> memref<800xi32, #tpu.memory_space<hbm>>
          %dma_start3A_346 = arith.constant 0 : i32
          %dma_start3A_347 = tpu.memref_slice %arg5[%run_scoped3A_325, %dma_start3A_346] : memref<4x800xi32, #tpu.memory_space<vmem>> -> memref<1x800xi32, #tpu.memory_space<vmem>>
          %dma_start3A_348 = tpu.memref_squeeze %dma_start3A_347 : memref<1x800xi32, #tpu.memory_space<vmem>> -> memref<800xi32, #tpu.memory_space<vmem>>
          %dma_start3A_349 = tpu.memref_slice %arg2[%add3A_324] : memref<3276800xi32, #tpu.memory_space<hbm>> -> memref<800xi32, #tpu.memory_space<hbm>>
          tpu.enqueue_dma source(%dma_start3A_349 : memref<800xi32, #tpu.memory_space<hbm>>) target(%dma_start3A_348 : memref<800xi32, #tpu.memory_space<vmem>>) target_semaphore(%run_scoped3A_341 : memref<!tpu.dma_semaphore, #tpu.memory_space<semaphore_mem>>)
          %dma_wait3A_350 = arith.constant 0 : i32
          %dma_wait3A_351 = tpu.memref_slice %arg5[%run_scoped3A_325, %dma_wait3A_350] : memref<4x800xi32, #tpu.memory_space<vmem>> -> memref<1x800xi32, #tpu.memory_space<vmem>>
          %dma_wait3A_352 = tpu.memref_squeeze %dma_wait3A_351 : memref<1x800xi32, #tpu.memory_space<vmem>> -> memref<800xi32, #tpu.memory_space<vmem>>
          %dma_wait3A_353 = tpu.memref_slice %arg2[%add3A_324] : memref<3276800xi32, #tpu.memory_space<hbm>> -> memref<800xi32, #tpu.memory_space<hbm>>
          %dma_wait3A_354 = arith.constant 0 : i32
          %dma_wait3A_355 = tpu.memref_slice %arg5[%run_scoped3A_325, %dma_wait3A_354] : memref<4x800xi32, #tpu.memory_space<vmem>> -> memref<1x800xi32, #tpu.memory_space<vmem>>
          %dma_wait3A_356 = tpu.memref_squeeze %dma_wait3A_355 : memref<1x800xi32, #tpu.memory_space<vmem>> -> memref<800xi32, #tpu.memory_space<vmem>>
          %dma_wait3A_357 = tpu.memref_slice %arg2[%add3A_324] : memref<3276800xi32, #tpu.memory_space<hbm>> -> memref<800xi32, #tpu.memory_space<hbm>>
          tpu.wait_dma2 semaphore(%run_scoped3A_341 : memref<!tpu.dma_semaphore, #tpu.memory_space<semaphore_mem>>) src(%dma_wait3A_357 : memref<800xi32, #tpu.memory_space<hbm>>) dst(%dma_wait3A_356 : memref<800xi32, #tpu.memory_space<vmem>>)
          tpu.yield
        }) : () -> ()
        %dma_start3A_326 = arith.constant 0 : i32
        %dma_start3A_327 = arith.constant 0 : i32
        %dma_start3A_328 = arith.constant 0 : i32
        %dma_start3A_329 = arith.constant 0 : i32
        %dma_start3A_330 = arith.constant 0 : i32
        %dma_start3A_331 = tpu.memref_slice %arg6[%dma_start3A_327, %dma_start3A_329, %dma_start3A_330] : memref<4x800x32xf32, #tpu.memory_space<vmem>> -> memref<1x800x32xf32, #tpu.memory_space<vmem>>
        %dma_start3A_332 = tpu.memref_squeeze %dma_start3A_331 : memref<1x800x32xf32, #tpu.memory_space<vmem>> -> memref<800x32xf32, #tpu.memory_space<vmem>>
        %dma_start3A_333 = arith.constant 0 : i32
        %dma_start3A_334 = tpu.memref_slice %arg5[%dma_start3A_326, %dma_start3A_333] : memref<4x800xi32, #tpu.memory_space<vmem>> -> memref<1x800xi32, #tpu.memory_space<vmem>>
        %dma_start3A_335 = tpu.memref_squeeze %dma_start3A_334 : memref<1x800xi32, #tpu.memory_space<vmem>> -> memref<800xi32, #tpu.memory_space<vmem>>
        %dma_start3A_336 = arith.constant 0 : i32
        %dma_start3A_337 = arith.constant 0 : i32
        %dma_start3A_338 = tpu.memref_slice %arg3[%dma_start3A_336, %dma_start3A_337] : memref<1000000x32xf32, #tpu.memory_space<hbm>> -> memref<1000000x32xf32, #tpu.memory_space<hbm>>
        %dma_start3A_339 = tpu.memref_slice %arg7[%dma_start3A_328] : memref<4x!tpu.dma_semaphore, #tpu.memory_space<semaphore_mem>> -> memref<1x!tpu.dma_semaphore, #tpu.memory_space<semaphore_mem>>
        %dma_start3A_340 = tpu.memref_squeeze %dma_start3A_339 : memref<1x!tpu.dma_semaphore, #tpu.memory_space<semaphore_mem>> -> memref<!tpu.dma_semaphore, #tpu.memory_space<semaphore_mem>>
        tpu.enqueue_indirect_dma source(%dma_start3A_338 : memref<1000000x32xf32, #tpu.memory_space<hbm>>) target(%dma_start3A_332 : memref<800x32xf32, #tpu.memory_space<vmem>>) offsets(%dma_start3A_335 : memref<800xi32, #tpu.memory_space<vmem>>) semaphore(%dma_start3A_340 : memref<!tpu.dma_semaphore, #tpu.memory_space<semaphore_mem>>)
      } else {
      }
      %add3A_222 = arith.constant 2 : i32
      %add3A_223 = arith.addi %mul3A_133, %add3A_222 : i32
      %mul3A_224 = arith.constant 800 : i32
      %mul3A_225 = arith.muli %add3A_223, %mul3A_224 : i32
      %add3A_226 = arith.addi %mul3A_2, %mul3A_225 : i32
      %dma_wait3A_227 = arith.constant 2 : i32
      %dma_wait3A_228 = arith.constant 2 : i32
      %dma_wait3A_229 = arith.constant 2 : i32
      %dma_wait3A_230 = arith.constant 0 : i32
      %dma_wait3A_231 = arith.constant 0 : i32
      %dma_wait3A_232 = tpu.memref_slice %arg6[%dma_wait3A_228, %dma_wait3A_230, %dma_wait3A_231] : memref<4x800x32xf32, #tpu.memory_space<vmem>> -> memref<1x800x32xf32, #tpu.memory_space<vmem>>
      %dma_wait3A_233 = tpu.memref_squeeze %dma_wait3A_232 : memref<1x800x32xf32, #tpu.memory_space<vmem>> -> memref<800x32xf32, #tpu.memory_space<vmem>>
      %dma_wait3A_234 = arith.constant 0 : i32
      %dma_wait3A_235 = tpu.memref_slice %arg5[%dma_wait3A_227, %dma_wait3A_234] : memref<4x800xi32, #tpu.memory_space<vmem>> -> memref<1x800xi32, #tpu.memory_space<vmem>>
      %dma_wait3A_236 = tpu.memref_squeeze %dma_wait3A_235 : memref<1x800xi32, #tpu.memory_space<vmem>> -> memref<800xi32, #tpu.memory_space<vmem>>
      %dma_wait3A_237 = arith.constant 0 : i32
      %dma_wait3A_238 = arith.constant 0 : i32
      %dma_wait3A_239 = tpu.memref_slice %arg3[%dma_wait3A_237, %dma_wait3A_238] : memref<1000000x32xf32, #tpu.memory_space<hbm>> -> memref<1000000x32xf32, #tpu.memory_space<hbm>>
      %dma_wait3A_240 = tpu.memref_slice %arg7[%dma_wait3A_229] : memref<4x!tpu.dma_semaphore, #tpu.memory_space<semaphore_mem>> -> memref<1x!tpu.dma_semaphore, #tpu.memory_space<semaphore_mem>>
      %dma_wait3A_241 = tpu.memref_squeeze %dma_wait3A_240 : memref<1x!tpu.dma_semaphore, #tpu.memory_space<semaphore_mem>> -> memref<!tpu.dma_semaphore, #tpu.memory_space<semaphore_mem>>
      tpu.wait_indirect_dma semaphore(%dma_wait3A_241 : memref<!tpu.dma_semaphore, #tpu.memory_space<semaphore_mem>>) src(%dma_wait3A_239 : memref<1000000x32xf32, #tpu.memory_space<hbm>>) dst(%dma_wait3A_233 : memref<800x32xf32, #tpu.memory_space<vmem>>)
      %parallel_loop3A_242 = arith.constant 0 : i32
      %parallel_loop3A_243 = arith.constant 800 : i32
      %parallel_loop3A_244 = arith.constant 1 : i32
      scf.for %parallel_loop3A_314 = %parallel_loop3A_242 to %parallel_loop3A_243 step %parallel_loop3A_244  : i32 {
        %parallel_loop3A_315 = arith.constant 2 : i32
        %parallel_loop3A_316 = arith.index_cast %parallel_loop3A_315 : i32 to index
        %parallel_loop3A_317 = arith.index_cast %parallel_loop3A_314 : i32 to index
        %parallel_loop3A_318 = arith.constant 0 : index
        %parallel_loop3A_319 = tpu.vector_load %arg6[%parallel_loop3A_316, %parallel_loop3A_317, %parallel_loop3A_318] {strides = array<i32>} : memref<4x800x32xf32, #tpu.memory_space<vmem>>, vector<1x1x16xf32>,
        %parallel_loop3A_320 = vector.shape_cast %parallel_loop3A_319 : vector<1x1x16xf32> to vector<16xf32>
        %parallel_loop3A_321 = arith.constant 5.65685415 : f32
        %parallel_loop3A_322 = vector.broadcast %parallel_loop3A_321 : f32 to vector<16xf32>
        %parallel_loop3A_323 = arith.mulf %parallel_loop3A_320, %parallel_loop3A_322 : vector<16xf32>
        %parallel_loop3A_324 = arith.constant 2 : i32
        %parallel_loop3A_325 = arith.index_cast %parallel_loop3A_324 : i32 to index
        %parallel_loop3A_326 = arith.index_cast %parallel_loop3A_314 : i32 to index
        %parallel_loop3A_327 = arith.constant 0 : index
        %parallel_loop3A_328 = tpu.vector_load %arg6[%parallel_loop3A_325, %parallel_loop3A_326, %parallel_loop3A_327] {strides = array<i32>} : memref<4x800x32xf32, #tpu.memory_space<vmem>>, vector<1x1x16xf32>,
        %parallel_loop3A_329 = vector.shape_cast %parallel_loop3A_328 : vector<1x1x16xf32> to vector<16xf32>
        %parallel_loop3A_330 = vector.shape_cast %parallel_loop3A_323 : vector<16xf32> to vector<1x1x16xf32>
        tpu.vector_store %arg6[%parallel_loop3A_325, %parallel_loop3A_326, %parallel_loop3A_327], %parallel_loop3A_330 {strides = array<i32>} : memref<4x800x32xf32, #tpu.memory_space<vmem>>, vector<1x1x16xf32>,
        %parallel_loop3A_331 = arith.constant 2 : i32
        %parallel_loop3A_332 = arith.index_cast %parallel_loop3A_331 : i32 to index
        %parallel_loop3A_333 = arith.index_cast %parallel_loop3A_314 : i32 to index
        %parallel_loop3A_334 = arith.constant 16 : index
        %parallel_loop3A_335 = tpu.vector_load %arg6[%parallel_loop3A_332, %parallel_loop3A_333, %parallel_loop3A_334] {strides = array<i32>} : memref<4x800x32xf32, #tpu.memory_space<vmem>>, vector<1x1x16xf32>,
        %parallel_loop3A_336 = vector.shape_cast %parallel_loop3A_335 : vector<1x1x16xf32> to vector<16xf32>
        %parallel_loop3A_337 = arith.constant 5.65685415 : f32
        %parallel_loop3A_338 = vector.broadcast %parallel_loop3A_337 : f32 to vector<16xf32>
        %parallel_loop3A_339 = arith.mulf %parallel_loop3A_336, %parallel_loop3A_338 : vector<16xf32>
        %parallel_loop3A_340 = arith.constant 2 : i32
        %parallel_loop3A_341 = arith.index_cast %parallel_loop3A_340 : i32 to index
        %parallel_loop3A_342 = arith.index_cast %parallel_loop3A_314 : i32 to index
        %parallel_loop3A_343 = arith.constant 16 : index
        %parallel_loop3A_344 = tpu.vector_load %arg6[%parallel_loop3A_341, %parallel_loop3A_342, %parallel_loop3A_343] {strides = array<i32>} : memref<4x800x32xf32, #tpu.memory_space<vmem>>, vector<1x1x16xf32>,
        %parallel_loop3A_345 = vector.shape_cast %parallel_loop3A_344 : vector<1x1x16xf32> to vector<16xf32>
        %parallel_loop3A_346 = vector.shape_cast %parallel_loop3A_339 : vector<16xf32> to vector<1x1x16xf32>
        tpu.vector_store %arg6[%parallel_loop3A_341, %parallel_loop3A_342, %parallel_loop3A_343], %parallel_loop3A_346 {strides = array<i32>} : memref<4x800x32xf32, #tpu.memory_space<vmem>>, vector<1x1x16xf32>,
      } {sc.loop_unroll_factor = 8 : i64, sc.parallel_access}
      %dma_start3A_245 = arith.constant 2 : i32
      %dma_start3A_246 = arith.constant 2 : i32
      %dma_start3A_247 = arith.constant 0 : i32
      %dma_start3A_248 = arith.constant 0 : i32
      %dma_start3A_249 = tpu.memref_slice %arg6[%dma_start3A_245, %dma_start3A_247, %dma_start3A_248] : memref<4x800x32xf32, #tpu.memory_space<vmem>> -> memref<1x800x32xf32, #tpu.memory_space<vmem>>
      %dma_start3A_250 = tpu.memref_squeeze %dma_start3A_249 : memref<1x800x32xf32, #tpu.memory_space<vmem>> -> memref<800x32xf32, #tpu.memory_space<vmem>>
      %dma_start3A_251 = arith.constant 0 : i32
      %dma_start3A_252 = tpu.memref_slice %arg4[%add3A_226, %dma_start3A_251] : memref<3276800x32xf32, #tpu.memory_space<hbm>> -> memref<800x32xf32, #tpu.memory_space<hbm>>
      %dma_start3A_253 = tpu.memref_slice %arg8[%dma_start3A_246] : memref<4x!tpu.dma_semaphore, #tpu.memory_space<semaphore_mem>> -> memref<1x!tpu.dma_semaphore, #tpu.memory_space<semaphore_mem>>
      %dma_start3A_254 = tpu.memref_squeeze %dma_start3A_253 : memref<1x!tpu.dma_semaphore, #tpu.memory_space<semaphore_mem>> -> memref<!tpu.dma_semaphore, #tpu.memory_space<semaphore_mem>>
      %dma_start3A_255 = arith.constant 0 : i32
      %dma_start3A_256 = tpu.memref_slice %arg4[%add3A_226, %dma_start3A_255] : memref<3276800x32xf32, #tpu.memory_space<hbm>> -> memref<800x32xf32, #tpu.memory_space<hbm>>
      %dma_start3A_257 = arith.constant 0 : i32
      %dma_start3A_258 = arith.constant 0 : i32
      %dma_start3A_259 = tpu.memref_slice %arg6[%dma_start3A_245, %dma_start3A_257, %dma_start3A_258] : memref<4x800x32xf32, #tpu.memory_space<vmem>> -> memref<1x800x32xf32, #tpu.memory_space<vmem>>
      %dma_start3A_260 = tpu.memref_squeeze %dma_start3A_259 : memref<1x800x32xf32, #tpu.memory_space<vmem>> -> memref<800x32xf32, #tpu.memory_space<vmem>>
      tpu.enqueue_dma source(%dma_start3A_260 : memref<800x32xf32, #tpu.memory_space<vmem>>) target(%dma_start3A_256 : memref<800x32xf32, #tpu.memory_space<hbm>>) target_semaphore(%dma_start3A_254 : memref<!tpu.dma_semaphore, #tpu.memory_space<semaphore_mem>>)
      %add3A_261 = arith.constant 3 : i32
      %add3A_262 = arith.addi %add3A_223, %add3A_261 : i32
      %lt3A_263 = arith.constant 128 : i32
      %lt3A_264 = arith.cmpi slt, %add3A_262, %lt3A_263 : i32
      %convert_element_type3A_265 = arith.extui %lt3A_264 : i1 to i32
      %cond3A_266 = arith.constant 0 : i32
      %cond3A_267 = arith.cmpi ne, %convert_element_type3A_265, %cond3A_266 : i32
      scf.if %cond3A_267 {
        %add3A_314 = arith.constant 3 : i32
        %add3A_315 = arith.addi %add3A_223, %add3A_314 : i32
        %ge3A = arith.constant 4 : i32
        %ge3A_316 = arith.cmpi sge, %add3A_315, %ge3A : i32
        %convert_element_type3A_317 = arith.extui %ge3A_316 : i1 to i32
        %cond3A_318 = arith.constant 0 : i32
        %cond3A_319 = arith.cmpi ne, %convert_element_type3A_317, %cond3A_318 : i32
        scf.if %cond3A_319 {
          %dma_wait3A_341 = arith.constant 1 : i32
          %dma_wait3A_342 = arith.constant 1 : i32
          %dma_wait3A_343 = arith.constant 0 : i32
          %dma_wait3A_344 = arith.constant 0 : i32
          %dma_wait3A_345 = tpu.memref_slice %arg6[%dma_wait3A_341, %dma_wait3A_343, %dma_wait3A_344] : memref<4x800x32xf32, #tpu.memory_space<vmem>> -> memref<1x800x32xf32, #tpu.memory_space<vmem>>
          %dma_wait3A_346 = tpu.memref_squeeze %dma_wait3A_345 : memref<1x800x32xf32, #tpu.memory_space<vmem>> -> memref<800x32xf32, #tpu.memory_space<vmem>>
          %dma_wait3A_347 = arith.constant 0 : i32
          %dma_wait3A_348 = tpu.memref_slice %arg4[%add3A_226, %dma_wait3A_347] : memref<3276800x32xf32, #tpu.memory_space<hbm>> -> memref<800x32xf32, #tpu.memory_space<hbm>>
          %dma_wait3A_349 = tpu.memref_slice %arg8[%dma_wait3A_342] : memref<4x!tpu.dma_semaphore, #tpu.memory_space<semaphore_mem>> -> memref<1x!tpu.dma_semaphore, #tpu.memory_space<semaphore_mem>>
          %dma_wait3A_350 = tpu.memref_squeeze %dma_wait3A_349 : memref<1x!tpu.dma_semaphore, #tpu.memory_space<semaphore_mem>> -> memref<!tpu.dma_semaphore, #tpu.memory_space<semaphore_mem>>
          %dma_wait3A_351 = arith.constant 0 : i32
          %dma_wait3A_352 = tpu.memref_slice %arg4[%add3A_226, %dma_wait3A_351] : memref<3276800x32xf32, #tpu.memory_space<hbm>> -> memref<800x32xf32, #tpu.memory_space<hbm>>
          %dma_wait3A_353 = arith.constant 0 : i32
          %dma_wait3A_354 = arith.constant 0 : i32
          %dma_wait3A_355 = tpu.memref_slice %arg6[%dma_wait3A_341, %dma_wait3A_353, %dma_wait3A_354] : memref<4x800x32xf32, #tpu.memory_space<vmem>> -> memref<1x800x32xf32, #tpu.memory_space<vmem>>
          %dma_wait3A_356 = tpu.memref_squeeze %dma_wait3A_355 : memref<1x800x32xf32, #tpu.memory_space<vmem>> -> memref<800x32xf32, #tpu.memory_space<vmem>>
          tpu.wait_dma2 semaphore(%dma_wait3A_350 : memref<!tpu.dma_semaphore, #tpu.memory_space<semaphore_mem>>) src(%dma_wait3A_356 : memref<800x32xf32, #tpu.memory_space<vmem>>) dst(%dma_wait3A_352 : memref<800x32xf32, #tpu.memory_space<hbm>>)
        } else {
        }
        %add3A_320 = arith.constant 3 : i32
        %add3A_321 = arith.addi %add3A_223, %add3A_320 : i32
        %mul3A_322 = arith.constant 800 : i32
        %mul3A_323 = arith.muli %add3A_321, %mul3A_322 : i32
        %add3A_324 = arith.addi %mul3A_2, %mul3A_323 : i32
        %run_scoped3A_325 = arith.constant 1 : i32
        "tpu.region"() ({
          %run_scoped3A_341 = tpu.sem_alloc : memref<!tpu.dma_semaphore, #tpu.memory_space<semaphore_mem>>
          %dma_start3A_342 = arith.constant 0 : i32
          %dma_start3A_343 = tpu.memref_slice %arg5[%run_scoped3A_325, %dma_start3A_342] : memref<4x800xi32, #tpu.memory_space<vmem>> -> memref<1x800xi32, #tpu.memory_space<vmem>>
          %dma_start3A_344 = tpu.memref_squeeze %dma_start3A_343 : memref<1x800xi32, #tpu.memory_space<vmem>> -> memref<800xi32, #tpu.memory_space<vmem>>
          %dma_start3A_345 = tpu.memref_slice %arg2[%add3A_324] : memref<3276800xi32, #tpu.memory_space<hbm>> -> memref<800xi32, #tpu.memory_space<hbm>>
          %dma_start3A_346 = arith.constant 0 : i32
          %dma_start3A_347 = tpu.memref_slice %arg5[%run_scoped3A_325, %dma_start3A_346] : memref<4x800xi32, #tpu.memory_space<vmem>> -> memref<1x800xi32, #tpu.memory_space<vmem>>
          %dma_start3A_348 = tpu.memref_squeeze %dma_start3A_347 : memref<1x800xi32, #tpu.memory_space<vmem>> -> memref<800xi32, #tpu.memory_space<vmem>>
          %dma_start3A_349 = tpu.memref_slice %arg2[%add3A_324] : memref<3276800xi32, #tpu.memory_space<hbm>> -> memref<800xi32, #tpu.memory_space<hbm>>
          tpu.enqueue_dma source(%dma_start3A_349 : memref<800xi32, #tpu.memory_space<hbm>>) target(%dma_start3A_348 : memref<800xi32, #tpu.memory_space<vmem>>) target_semaphore(%run_scoped3A_341 : memref<!tpu.dma_semaphore, #tpu.memory_space<semaphore_mem>>)
          %dma_wait3A_350 = arith.constant 0 : i32
          %dma_wait3A_351 = tpu.memref_slice %arg5[%run_scoped3A_325, %dma_wait3A_350] : memref<4x800xi32, #tpu.memory_space<vmem>> -> memref<1x800xi32, #tpu.memory_space<vmem>>
          %dma_wait3A_352 = tpu.memref_squeeze %dma_wait3A_351 : memref<1x800xi32, #tpu.memory_space<vmem>> -> memref<800xi32, #tpu.memory_space<vmem>>
          %dma_wait3A_353 = tpu.memref_slice %arg2[%add3A_324] : memref<3276800xi32, #tpu.memory_space<hbm>> -> memref<800xi32, #tpu.memory_space<hbm>>
          %dma_wait3A_354 = arith.constant 0 : i32
          %dma_wait3A_355 = tpu.memref_slice %arg5[%run_scoped3A_325, %dma_wait3A_354] : memref<4x800xi32, #tpu.memory_space<vmem>> -> memref<1x800xi32, #tpu.memory_space<vmem>>
          %dma_wait3A_356 = tpu.memref_squeeze %dma_wait3A_355 : memref<1x800xi32, #tpu.memory_space<vmem>> -> memref<800xi32, #tpu.memory_space<vmem>>
          %dma_wait3A_357 = tpu.memref_slice %arg2[%add3A_324] : memref<3276800xi32, #tpu.memory_space<hbm>> -> memref<800xi32, #tpu.memory_space<hbm>>
          tpu.wait_dma2 semaphore(%run_scoped3A_341 : memref<!tpu.dma_semaphore, #tpu.memory_space<semaphore_mem>>) src(%dma_wait3A_357 : memref<800xi32, #tpu.memory_space<hbm>>) dst(%dma_wait3A_356 : memref<800xi32, #tpu.memory_space<vmem>>)
          tpu.yield
        }) : () -> ()
        %dma_start3A_326 = arith.constant 1 : i32
        %dma_start3A_327 = arith.constant 1 : i32
        %dma_start3A_328 = arith.constant 1 : i32
        %dma_start3A_329 = arith.constant 0 : i32
        %dma_start3A_330 = arith.constant 0 : i32
        %dma_start3A_331 = tpu.memref_slice %arg6[%dma_start3A_327, %dma_start3A_329, %dma_start3A_330] : memref<4x800x32xf32, #tpu.memory_space<vmem>> -> memref<1x800x32xf32, #tpu.memory_space<vmem>>
        %dma_start3A_332 = tpu.memref_squeeze %dma_start3A_331 : memref<1x800x32xf32, #tpu.memory_space<vmem>> -> memref<800x32xf32, #tpu.memory_space<vmem>>
        %dma_start3A_333 = arith.constant 0 : i32
        %dma_start3A_334 = tpu.memref_slice %arg5[%dma_start3A_326, %dma_start3A_333] : memref<4x800xi32, #tpu.memory_space<vmem>> -> memref<1x800xi32, #tpu.memory_space<vmem>>
        %dma_start3A_335 = tpu.memref_squeeze %dma_start3A_334 : memref<1x800xi32, #tpu.memory_space<vmem>> -> memref<800xi32, #tpu.memory_space<vmem>>
        %dma_start3A_336 = arith.constant 0 : i32
        %dma_start3A_337 = arith.constant 0 : i32
        %dma_start3A_338 = tpu.memref_slice %arg3[%dma_start3A_336, %dma_start3A_337] : memref<1000000x32xf32, #tpu.memory_space<hbm>> -> memref<1000000x32xf32, #tpu.memory_space<hbm>>
        %dma_start3A_339 = tpu.memref_slice %arg7[%dma_start3A_328] : memref<4x!tpu.dma_semaphore, #tpu.memory_space<semaphore_mem>> -> memref<1x!tpu.dma_semaphore, #tpu.memory_space<semaphore_mem>>
        %dma_start3A_340 = tpu.memref_squeeze %dma_start3A_339 : memref<1x!tpu.dma_semaphore, #tpu.memory_space<semaphore_mem>> -> memref<!tpu.dma_semaphore, #tpu.memory_space<semaphore_mem>>
        tpu.enqueue_indirect_dma source(%dma_start3A_338 : memref<1000000x32xf32, #tpu.memory_space<hbm>>) target(%dma_start3A_332 : memref<800x32xf32, #tpu.memory_space<vmem>>) offsets(%dma_start3A_335 : memref<800xi32, #tpu.memory_space<vmem>>) semaphore(%dma_start3A_340 : memref<!tpu.dma_semaphore, #tpu.memory_space<semaphore_mem>>)
      } else {
      }
      %add3A_268 = arith.constant 3 : i32
      %add3A_269 = arith.addi %mul3A_133, %add3A_268 : i32
      %mul3A_270 = arith.constant 800 : i32
      %mul3A_271 = arith.muli %add3A_269, %mul3A_270 : i32
      %add3A_272 = arith.addi %mul3A_2, %mul3A_271 : i32
      %dma_wait3A_273 = arith.constant 3 : i32
      %dma_wait3A_274 = arith.constant 3 : i32
      %dma_wait3A_275 = arith.constant 3 : i32
      %dma_wait3A_276 = arith.constant 0 : i32
      %dma_wait3A_277 = arith.constant 0 : i32
      %dma_wait3A_278 = tpu.memref_slice %arg6[%dma_wait3A_274, %dma_wait3A_276, %dma_wait3A_277] : memref<4x800x32xf32, #tpu.memory_space<vmem>> -> memref<1x800x32xf32, #tpu.memory_space<vmem>>
      %dma_wait3A_279 = tpu.memref_squeeze %dma_wait3A_278 : memref<1x800x32xf32, #tpu.memory_space<vmem>> -> memref<800x32xf32, #tpu.memory_space<vmem>>
      %dma_wait3A_280 = arith.constant 0 : i32
      %dma_wait3A_281 = tpu.memref_slice %arg5[%dma_wait3A_273, %dma_wait3A_280] : memref<4x800xi32, #tpu.memory_space<vmem>> -> memref<1x800xi32, #tpu.memory_space<vmem>>
      %dma_wait3A_282 = tpu.memref_squeeze %dma_wait3A_281 : memref<1x800xi32, #tpu.memory_space<vmem>> -> memref<800xi32, #tpu.memory_space<vmem>>
      %dma_wait3A_283 = arith.constant 0 : i32
      %dma_wait3A_284 = arith.constant 0 : i32
      %dma_wait3A_285 = tpu.memref_slice %arg3[%dma_wait3A_283, %dma_wait3A_284] : memref<1000000x32xf32, #tpu.memory_space<hbm>> -> memref<1000000x32xf32, #tpu.memory_space<hbm>>
      %dma_wait3A_286 = tpu.memref_slice %arg7[%dma_wait3A_275] : memref<4x!tpu.dma_semaphore, #tpu.memory_space<semaphore_mem>> -> memref<1x!tpu.dma_semaphore, #tpu.memory_space<semaphore_mem>>
      %dma_wait3A_287 = tpu.memref_squeeze %dma_wait3A_286 : memref<1x!tpu.dma_semaphore, #tpu.memory_space<semaphore_mem>> -> memref<!tpu.dma_semaphore, #tpu.memory_space<semaphore_mem>>
      tpu.wait_indirect_dma semaphore(%dma_wait3A_287 : memref<!tpu.dma_semaphore, #tpu.memory_space<semaphore_mem>>) src(%dma_wait3A_285 : memref<1000000x32xf32, #tpu.memory_space<hbm>>) dst(%dma_wait3A_279 : memref<800x32xf32, #tpu.memory_space<vmem>>)
      %parallel_loop3A_288 = arith.constant 0 : i32
      %parallel_loop3A_289 = arith.constant 800 : i32
      %parallel_loop3A_290 = arith.constant 1 : i32
      scf.for %parallel_loop3A_314 = %parallel_loop3A_288 to %parallel_loop3A_289 step %parallel_loop3A_290  : i32 {
        %parallel_loop3A_315 = arith.constant 3 : i32
        %parallel_loop3A_316 = arith.index_cast %parallel_loop3A_315 : i32 to index
        %parallel_loop3A_317 = arith.index_cast %parallel_loop3A_314 : i32 to index
        %parallel_loop3A_318 = arith.constant 0 : index
        %parallel_loop3A_319 = tpu.vector_load %arg6[%parallel_loop3A_316, %parallel_loop3A_317, %parallel_loop3A_318] {strides = array<i32>} : memref<4x800x32xf32, #tpu.memory_space<vmem>>, vector<1x1x16xf32>,
        %parallel_loop3A_320 = vector.shape_cast %parallel_loop3A_319 : vector<1x1x16xf32> to vector<16xf32>
        %parallel_loop3A_321 = arith.constant 5.65685415 : f32
        %parallel_loop3A_322 = vector.broadcast %parallel_loop3A_321 : f32 to vector<16xf32>
        %parallel_loop3A_323 = arith.mulf %parallel_loop3A_320, %parallel_loop3A_322 : vector<16xf32>
        %parallel_loop3A_324 = arith.constant 3 : i32
        %parallel_loop3A_325 = arith.index_cast %parallel_loop3A_324 : i32 to index
        %parallel_loop3A_326 = arith.index_cast %parallel_loop3A_314 : i32 to index
        %parallel_loop3A_327 = arith.constant 0 : index
        %parallel_loop3A_328 = tpu.vector_load %arg6[%parallel_loop3A_325, %parallel_loop3A_326, %parallel_loop3A_327] {strides = array<i32>} : memref<4x800x32xf32, #tpu.memory_space<vmem>>, vector<1x1x16xf32>,
        %parallel_loop3A_329 = vector.shape_cast %parallel_loop3A_328 : vector<1x1x16xf32> to vector<16xf32>
        %parallel_loop3A_330 = vector.shape_cast %parallel_loop3A_323 : vector<16xf32> to vector<1x1x16xf32>
        tpu.vector_store %arg6[%parallel_loop3A_325, %parallel_loop3A_326, %parallel_loop3A_327], %parallel_loop3A_330 {strides = array<i32>} : memref<4x800x32xf32, #tpu.memory_space<vmem>>, vector<1x1x16xf32>,
        %parallel_loop3A_331 = arith.constant 3 : i32
        %parallel_loop3A_332 = arith.index_cast %parallel_loop3A_331 : i32 to index
        %parallel_loop3A_333 = arith.index_cast %parallel_loop3A_314 : i32 to index
        %parallel_loop3A_334 = arith.constant 16 : index
        %parallel_loop3A_335 = tpu.vector_load %arg6[%parallel_loop3A_332, %parallel_loop3A_333, %parallel_loop3A_334] {strides = array<i32>} : memref<4x800x32xf32, #tpu.memory_space<vmem>>, vector<1x1x16xf32>,
        %parallel_loop3A_336 = vector.shape_cast %parallel_loop3A_335 : vector<1x1x16xf32> to vector<16xf32>
        %parallel_loop3A_337 = arith.constant 5.65685415 : f32
        %parallel_loop3A_338 = vector.broadcast %parallel_loop3A_337 : f32 to vector<16xf32>
        %parallel_loop3A_339 = arith.mulf %parallel_loop3A_336, %parallel_loop3A_338 : vector<16xf32>
        %parallel_loop3A_340 = arith.constant 3 : i32
        %parallel_loop3A_341 = arith.index_cast %parallel_loop3A_340 : i32 to index
        %parallel_loop3A_342 = arith.index_cast %parallel_loop3A_314 : i32 to index
        %parallel_loop3A_343 = arith.constant 16 : index
        %parallel_loop3A_344 = tpu.vector_load %arg6[%parallel_loop3A_341, %parallel_loop3A_342, %parallel_loop3A_343] {strides = array<i32>} : memref<4x800x32xf32, #tpu.memory_space<vmem>>, vector<1x1x16xf32>,
        %parallel_loop3A_345 = vector.shape_cast %parallel_loop3A_344 : vector<1x1x16xf32> to vector<16xf32>
        %parallel_loop3A_346 = vector.shape_cast %parallel_loop3A_339 : vector<16xf32> to vector<1x1x16xf32>
        tpu.vector_store %arg6[%parallel_loop3A_341, %parallel_loop3A_342, %parallel_loop3A_343], %parallel_loop3A_346 {strides = array<i32>} : memref<4x800x32xf32, #tpu.memory_space<vmem>>, vector<1x1x16xf32>,
      } {sc.loop_unroll_factor = 8 : i64, sc.parallel_access}
      %dma_start3A_291 = arith.constant 3 : i32
      %dma_start3A_292 = arith.constant 3 : i32
      %dma_start3A_293 = arith.constant 0 : i32
      %dma_start3A_294 = arith.constant 0 : i32
      %dma_start3A_295 = tpu.memref_slice %arg6[%dma_start3A_291, %dma_start3A_293, %dma_start3A_294] : memref<4x800x32xf32, #tpu.memory_space<vmem>> -> memref<1x800x32xf32, #tpu.memory_space<vmem>>
      %dma_start3A_296 = tpu.memref_squeeze %dma_start3A_295 : memref<1x800x32xf32, #tpu.memory_space<vmem>> -> memref<800x32xf32, #tpu.memory_space<vmem>>
      %dma_start3A_297 = arith.constant 0 : i32
      %dma_start3A_298 = tpu.memref_slice %arg4[%add3A_272, %dma_start3A_297] : memref<3276800x32xf32, #tpu.memory_space<hbm>> -> memref<800x32xf32, #tpu.memory_space<hbm>>
      %dma_start3A_299 = tpu.memref_slice %arg8[%dma_start3A_292] : memref<4x!tpu.dma_semaphore, #tpu.memory_space<semaphore_mem>> -> memref<1x!tpu.dma_semaphore, #tpu.memory_space<semaphore_mem>>
      %dma_start3A_300 = tpu.memref_squeeze %dma_start3A_299 : memref<1x!tpu.dma_semaphore, #tpu.memory_space<semaphore_mem>> -> memref<!tpu.dma_semaphore, #tpu.memory_space<semaphore_mem>>
      %dma_start3A_301 = arith.constant 0 : i32
      %dma_start3A_302 = tpu.memref_slice %arg4[%add3A_272, %dma_start3A_301] : memref<3276800x32xf32, #tpu.memory_space<hbm>> -> memref<800x32xf32, #tpu.memory_space<hbm>>
      %dma_start3A_303 = arith.constant 0 : i32
      %dma_start3A_304 = arith.constant 0 : i32
      %dma_start3A_305 = tpu.memref_slice %arg6[%dma_start3A_291, %dma_start3A_303, %dma_start3A_304] : memref<4x800x32xf32, #tpu.memory_space<vmem>> -> memref<1x800x32xf32, #tpu.memory_space<vmem>>
      %dma_start3A_306 = tpu.memref_squeeze %dma_start3A_305 : memref<1x800x32xf32, #tpu.memory_space<vmem>> -> memref<800x32xf32, #tpu.memory_space<vmem>>
      tpu.enqueue_dma source(%dma_start3A_306 : memref<800x32xf32, #tpu.memory_space<vmem>>) target(%dma_start3A_302 : memref<800x32xf32, #tpu.memory_space<hbm>>) target_semaphore(%dma_start3A_300 : memref<!tpu.dma_semaphore, #tpu.memory_space<semaphore_mem>>)
      %add3A_307 = arith.constant 3 : i32
      %add3A_308 = arith.addi %add3A_269, %add3A_307 : i32
      %lt3A_309 = arith.constant 128 : i32
      %lt3A_310 = arith.cmpi slt, %add3A_308, %lt3A_309 : i32
      %convert_element_type3A_311 = arith.extui %lt3A_310 : i1 to i32
      %cond3A_312 = arith.constant 0 : i32
      %cond3A_313 = arith.cmpi ne, %convert_element_type3A_311, %cond3A_312 : i32
      scf.if %cond3A_313 {
        %add3A_314 = arith.constant 3 : i32
        %add3A_315 = arith.addi %add3A_269, %add3A_314 : i32
        %ge3A = arith.constant 4 : i32
        %ge3A_316 = arith.cmpi sge, %add3A_315, %ge3A : i32
        %convert_element_type3A_317 = arith.extui %ge3A_316 : i1 to i32
        %cond3A_318 = arith.constant 0 : i32
        %cond3A_319 = arith.cmpi ne, %convert_element_type3A_317, %cond3A_318 : i32
        scf.if %cond3A_319 {
          %dma_wait3A_341 = arith.constant 2 : i32
          %dma_wait3A_342 = arith.constant 2 : i32
          %dma_wait3A_343 = arith.constant 0 : i32
          %dma_wait3A_344 = arith.constant 0 : i32
          %dma_wait3A_345 = tpu.memref_slice %arg6[%dma_wait3A_341, %dma_wait3A_343, %dma_wait3A_344] : memref<4x800x32xf32, #tpu.memory_space<vmem>> -> memref<1x800x32xf32, #tpu.memory_space<vmem>>
          %dma_wait3A_346 = tpu.memref_squeeze %dma_wait3A_345 : memref<1x800x32xf32, #tpu.memory_space<vmem>> -> memref<800x32xf32, #tpu.memory_space<vmem>>
          %dma_wait3A_347 = arith.constant 0 : i32
          %dma_wait3A_348 = tpu.memref_slice %arg4[%add3A_272, %dma_wait3A_347] : memref<3276800x32xf32, #tpu.memory_space<hbm>> -> memref<800x32xf32, #tpu.memory_space<hbm>>
          %dma_wait3A_349 = tpu.memref_slice %arg8[%dma_wait3A_342] : memref<4x!tpu.dma_semaphore, #tpu.memory_space<semaphore_mem>> -> memref<1x!tpu.dma_semaphore, #tpu.memory_space<semaphore_mem>>
          %dma_wait3A_350 = tpu.memref_squeeze %dma_wait3A_349 : memref<1x!tpu.dma_semaphore, #tpu.memory_space<semaphore_mem>> -> memref<!tpu.dma_semaphore, #tpu.memory_space<semaphore_mem>>
          %dma_wait3A_351 = arith.constant 0 : i32
          %dma_wait3A_352 = tpu.memref_slice %arg4[%add3A_272, %dma_wait3A_351] : memref<3276800x32xf32, #tpu.memory_space<hbm>> -> memref<800x32xf32, #tpu.memory_space<hbm>>
          %dma_wait3A_353 = arith.constant 0 : i32
          %dma_wait3A_354 = arith.constant 0 : i32
          %dma_wait3A_355 = tpu.memref_slice %arg6[%dma_wait3A_341, %dma_wait3A_353, %dma_wait3A_354] : memref<4x800x32xf32, #tpu.memory_space<vmem>> -> memref<1x800x32xf32, #tpu.memory_space<vmem>>
          %dma_wait3A_356 = tpu.memref_squeeze %dma_wait3A_355 : memref<1x800x32xf32, #tpu.memory_space<vmem>> -> memref<800x32xf32, #tpu.memory_space<vmem>>
          tpu.wait_dma2 semaphore(%dma_wait3A_350 : memref<!tpu.dma_semaphore, #tpu.memory_space<semaphore_mem>>) src(%dma_wait3A_356 : memref<800x32xf32, #tpu.memory_space<vmem>>) dst(%dma_wait3A_352 : memref<800x32xf32, #tpu.memory_space<hbm>>)
        } else {
        }
        %add3A_320 = arith.constant 3 : i32
        %add3A_321 = arith.addi %add3A_269, %add3A_320 : i32
        %mul3A_322 = arith.constant 800 : i32
        %mul3A_323 = arith.muli %add3A_321, %mul3A_322 : i32
        %add3A_324 = arith.addi %mul3A_2, %mul3A_323 : i32
        %run_scoped3A_325 = arith.constant 2 : i32
        "tpu.region"() ({
          %run_scoped3A_341 = tpu.sem_alloc : memref<!tpu.dma_semaphore, #tpu.memory_space<semaphore_mem>>
          %dma_start3A_342 = arith.constant 0 : i32
          %dma_start3A_343 = tpu.memref_slice %arg5[%run_scoped3A_325, %dma_start3A_342] : memref<4x800xi32, #tpu.memory_space<vmem>> -> memref<1x800xi32, #tpu.memory_space<vmem>>
          %dma_start3A_344 = tpu.memref_squeeze %dma_start3A_343 : memref<1x800xi32, #tpu.memory_space<vmem>> -> memref<800xi32, #tpu.memory_space<vmem>>
          %dma_start3A_345 = tpu.memref_slice %arg2[%add3A_324] : memref<3276800xi32, #tpu.memory_space<hbm>> -> memref<800xi32, #tpu.memory_space<hbm>>
          %dma_start3A_346 = arith.constant 0 : i32
          %dma_start3A_347 = tpu.memref_slice %arg5[%run_scoped3A_325, %dma_start3A_346] : memref<4x800xi32, #tpu.memory_space<vmem>> -> memref<1x800xi32, #tpu.memory_space<vmem>>
          %dma_start3A_348 = tpu.memref_squeeze %dma_start3A_347 : memref<1x800xi32, #tpu.memory_space<vmem>> -> memref<800xi32, #tpu.memory_space<vmem>>
          %dma_start3A_349 = tpu.memref_slice %arg2[%add3A_324] : memref<3276800xi32, #tpu.memory_space<hbm>> -> memref<800xi32, #tpu.memory_space<hbm>>
          tpu.enqueue_dma source(%dma_start3A_349 : memref<800xi32, #tpu.memory_space<hbm>>) target(%dma_start3A_348 : memref<800xi32, #tpu.memory_space<vmem>>) target_semaphore(%run_scoped3A_341 : memref<!tpu.dma_semaphore, #tpu.memory_space<semaphore_mem>>)
          %dma_wait3A_350 = arith.constant 0 : i32
          %dma_wait3A_351 = tpu.memref_slice %arg5[%run_scoped3A_325, %dma_wait3A_350] : memref<4x800xi32, #tpu.memory_space<vmem>> -> memref<1x800xi32, #tpu.memory_space<vmem>>
          %dma_wait3A_352 = tpu.memref_squeeze %dma_wait3A_351 : memref<1x800xi32, #tpu.memory_space<vmem>> -> memref<800xi32, #tpu.memory_space<vmem>>
          %dma_wait3A_353 = tpu.memref_slice %arg2[%add3A_324] : memref<3276800xi32, #tpu.memory_space<hbm>> -> memref<800xi32, #tpu.memory_space<hbm>>
          %dma_wait3A_354 = arith.constant 0 : i32
          %dma_wait3A_355 = tpu.memref_slice %arg5[%run_scoped3A_325, %dma_wait3A_354] : memref<4x800xi32, #tpu.memory_space<vmem>> -> memref<1x800xi32, #tpu.memory_space<vmem>>
          %dma_wait3A_356 = tpu.memref_squeeze %dma_wait3A_355 : memref<1x800xi32, #tpu.memory_space<vmem>> -> memref<800xi32, #tpu.memory_space<vmem>>
          %dma_wait3A_357 = tpu.memref_slice %arg2[%add3A_324] : memref<3276800xi32, #tpu.memory_space<hbm>> -> memref<800xi32, #tpu.memory_space<hbm>>
          tpu.wait_dma2 semaphore(%run_scoped3A_341 : memref<!tpu.dma_semaphore, #tpu.memory_space<semaphore_mem>>) src(%dma_wait3A_357 : memref<800xi32, #tpu.memory_space<hbm>>) dst(%dma_wait3A_356 : memref<800xi32, #tpu.memory_space<vmem>>)
          tpu.yield
        }) : () -> ()
        %dma_start3A_326 = arith.constant 2 : i32
        %dma_start3A_327 = arith.constant 2 : i32
        %dma_start3A_328 = arith.constant 2 : i32
        %dma_start3A_329 = arith.constant 0 : i32
        %dma_start3A_330 = arith.constant 0 : i32
        %dma_start3A_331 = tpu.memref_slice %arg6[%dma_start3A_327, %dma_start3A_329, %dma_start3A_330] : memref<4x800x32xf32, #tpu.memory_space<vmem>> -> memref<1x800x32xf32, #tpu.memory_space<vmem>>
        %dma_start3A_332 = tpu.memref_squeeze %dma_start3A_331 : memref<1x800x32xf32, #tpu.memory_space<vmem>> -> memref<800x32xf32, #tpu.memory_space<vmem>>
        %dma_start3A_333 = arith.constant 0 : i32
        %dma_start3A_334 = tpu.memref_slice %arg5[%dma_start3A_326, %dma_start3A_333] : memref<4x800xi32, #tpu.memory_space<vmem>> -> memref<1x800xi32, #tpu.memory_space<vmem>>
        %dma_start3A_335 = tpu.memref_squeeze %dma_start3A_334 : memref<1x800xi32, #tpu.memory_space<vmem>> -> memref<800xi32, #tpu.memory_space<vmem>>
        %dma_start3A_336 = arith.constant 0 : i32
        %dma_start3A_337 = arith.constant 0 : i32
        %dma_start3A_338 = tpu.memref_slice %arg3[%dma_start3A_336, %dma_start3A_337] : memref<1000000x32xf32, #tpu.memory_space<hbm>> -> memref<1000000x32xf32, #tpu.memory_space<hbm>>
        %dma_start3A_339 = tpu.memref_slice %arg7[%dma_start3A_328] : memref<4x!tpu.dma_semaphore, #tpu.memory_space<semaphore_mem>> -> memref<1x!tpu.dma_semaphore, #tpu.memory_space<semaphore_mem>>
        %dma_start3A_340 = tpu.memref_squeeze %dma_start3A_339 : memref<1x!tpu.dma_semaphore, #tpu.memory_space<semaphore_mem>> -> memref<!tpu.dma_semaphore, #tpu.memory_space<semaphore_mem>>
        tpu.enqueue_indirect_dma source(%dma_start3A_338 : memref<1000000x32xf32, #tpu.memory_space<hbm>>) target(%dma_start3A_332 : memref<800x32xf32, #tpu.memory_space<vmem>>) offsets(%dma_start3A_335 : memref<800xi32, #tpu.memory_space<vmem>>) semaphore(%dma_start3A_340 : memref<!tpu.dma_semaphore, #tpu.memory_space<semaphore_mem>>)
      } else {
      }
    }
    %scan3A_59 = arith.constant 32 : i32
    %add3A_60 = arith.constant 99200 : i32
    %add3A_61 = arith.addi %mul3A_2, %add3A_60 : i32
    %dma_wait3A = arith.constant 0 : i32
    %dma_wait3A_62 = arith.constant 0 : i32
    %dma_wait3A_63 = arith.constant 0 : i32
    %dma_wait3A_64 = arith.constant 0 : i32
    %dma_wait3A_65 = tpu.memref_slice %arg6[%dma_wait3A, %dma_wait3A_63, %dma_wait3A_64] : memref<4x800x32xf32, #tpu.memory_space<vmem>> -> memref<1x800x32xf32, #tpu.memory_space<vmem>>
    %dma_wait3A_66 = tpu.memref_squeeze %dma_wait3A_65 : memref<1x800x32xf32, #tpu.memory_space<vmem>> -> memref<800x32xf32, #tpu.memory_space<vmem>>
    %dma_wait3A_67 = arith.constant 0 : i32
    %dma_wait3A_68 = tpu.memref_slice %arg4[%add3A_61, %dma_wait3A_67] : memref<3276800x32xf32, #tpu.memory_space<hbm>> -> memref<800x32xf32, #tpu.memory_space<hbm>>
    %dma_wait3A_69 = tpu.memref_slice %arg8[%dma_wait3A_62] : memref<4x!tpu.dma_semaphore, #tpu.memory_space<semaphore_mem>> -> memref<1x!tpu.dma_semaphore, #tpu.memory_space<semaphore_mem>>
    %dma_wait3A_70 = tpu.memref_squeeze %dma_wait3A_69 : memref<1x!tpu.dma_semaphore, #tpu.memory_space<semaphore_mem>> -> memref<!tpu.dma_semaphore, #tpu.memory_space<semaphore_mem>>
    %dma_wait3A_71 = arith.constant 0 : i32
    %dma_wait3A_72 = tpu.memref_slice %arg4[%add3A_61, %dma_wait3A_71] : memref<3276800x32xf32, #tpu.memory_space<hbm>> -> memref<800x32xf32, #tpu.memory_space<hbm>>
    %dma_wait3A_73 = arith.constant 0 : i32
    %dma_wait3A_74 = arith.constant 0 : i32
    %dma_wait3A_75 = tpu.memref_slice %arg6[%dma_wait3A, %dma_wait3A_73, %dma_wait3A_74] : memref<4x800x32xf32, #tpu.memory_space<vmem>> -> memref<1x800x32xf32, #tpu.memory_space<vmem>>
    %dma_wait3A_76 = tpu.memref_squeeze %dma_wait3A_75 : memref<1x800x32xf32, #tpu.memory_space<vmem>> -> memref<800x32xf32, #tpu.memory_space<vmem>>
    tpu.wait_dma2 semaphore(%dma_wait3A_70 : memref<!tpu.dma_semaphore, #tpu.memory_space<semaphore_mem>>) src(%dma_wait3A_76 : memref<800x32xf32, #tpu.memory_space<vmem>>) dst(%dma_wait3A_72 : memref<800x32xf32, #tpu.memory_space<hbm>>)
    %add3A_77 = arith.constant 100000 : i32
    %add3A_78 = arith.addi %mul3A_2, %add3A_77 : i32
    %dma_wait3A_79 = arith.constant 1 : i32
    %dma_wait3A_80 = arith.constant 1 : i32
    %dma_wait3A_81 = arith.constant 0 : i32
    %dma_wait3A_82 = arith.constant 0 : i32
    %dma_wait3A_83 = tpu.memref_slice %arg6[%dma_wait3A_79, %dma_wait3A_81, %dma_wait3A_82] : memref<4x800x32xf32, #tpu.memory_space<vmem>> -> memref<1x800x32xf32, #tpu.memory_space<vmem>>
    %dma_wait3A_84 = tpu.memref_squeeze %dma_wait3A_83 : memref<1x800x32xf32, #tpu.memory_space<vmem>> -> memref<800x32xf32, #tpu.memory_space<vmem>>
    %dma_wait3A_85 = arith.constant 0 : i32
    %dma_wait3A_86 = tpu.memref_slice %arg4[%add3A_78, %dma_wait3A_85] : memref<3276800x32xf32, #tpu.memory_space<hbm>> -> memref<800x32xf32, #tpu.memory_space<hbm>>
    %dma_wait3A_87 = tpu.memref_slice %arg8[%dma_wait3A_80] : memref<4x!tpu.dma_semaphore, #tpu.memory_space<semaphore_mem>> -> memref<1x!tpu.dma_semaphore, #tpu.memory_space<semaphore_mem>>
    %dma_wait3A_88 = tpu.memref_squeeze %dma_wait3A_87 : memref<1x!tpu.dma_semaphore, #tpu.memory_space<semaphore_mem>> -> memref<!tpu.dma_semaphore, #tpu.memory_space<semaphore_mem>>
    %dma_wait3A_89 = arith.constant 0 : i32
    %dma_wait3A_90 = tpu.memref_slice %arg4[%add3A_78, %dma_wait3A_89] : memref<3276800x32xf32, #tpu.memory_space<hbm>> -> memref<800x32xf32, #tpu.memory_space<hbm>>
    %dma_wait3A_91 = arith.constant 0 : i32
    %dma_wait3A_92 = arith.constant 0 : i32
    %dma_wait3A_93 = tpu.memref_slice %arg6[%dma_wait3A_79, %dma_wait3A_91, %dma_wait3A_92] : memref<4x800x32xf32, #tpu.memory_space<vmem>> -> memref<1x800x32xf32, #tpu.memory_space<vmem>>
    %dma_wait3A_94 = tpu.memref_squeeze %dma_wait3A_93 : memref<1x800x32xf32, #tpu.memory_space<vmem>> -> memref<800x32xf32, #tpu.memory_space<vmem>>
    tpu.wait_dma2 semaphore(%dma_wait3A_88 : memref<!tpu.dma_semaphore, #tpu.memory_space<semaphore_mem>>) src(%dma_wait3A_94 : memref<800x32xf32, #tpu.memory_space<vmem>>) dst(%dma_wait3A_90 : memref<800x32xf32, #tpu.memory_space<hbm>>)
    %add3A_95 = arith.constant 100800 : i32
    %add3A_96 = arith.addi %mul3A_2, %add3A_95 : i32
    %dma_wait3A_97 = arith.constant 2 : i32
    %dma_wait3A_98 = arith.constant 2 : i32
    %dma_wait3A_99 = arith.constant 0 : i32
    %dma_wait3A_100 = arith.constant 0 : i32
    %dma_wait3A_101 = tpu.memref_slice %arg6[%dma_wait3A_97, %dma_wait3A_99, %dma_wait3A_100] : memref<4x800x32xf32, #tpu.memory_space<vmem>> -> memref<1x800x32xf32, #tpu.memory_space<vmem>>
    %dma_wait3A_102 = tpu.memref_squeeze %dma_wait3A_101 : memref<1x800x32xf32, #tpu.memory_space<vmem>> -> memref<800x32xf32, #tpu.memory_space<vmem>>
    %dma_wait3A_103 = arith.constant 0 : i32
    %dma_wait3A_104 = tpu.memref_slice %arg4[%add3A_96, %dma_wait3A_103] : memref<3276800x32xf32, #tpu.memory_space<hbm>> -> memref<800x32xf32, #tpu.memory_space<hbm>>
    %dma_wait3A_105 = tpu.memref_slice %arg8[%dma_wait3A_98] : memref<4x!tpu.dma_semaphore, #tpu.memory_space<semaphore_mem>> -> memref<1x!tpu.dma_semaphore, #tpu.memory_space<semaphore_mem>>
    %dma_wait3A_106 = tpu.memref_squeeze %dma_wait3A_105 : memref<1x!tpu.dma_semaphore, #tpu.memory_space<semaphore_mem>> -> memref<!tpu.dma_semaphore, #tpu.memory_space<semaphore_mem>>
    %dma_wait3A_107 = arith.constant 0 : i32
    %dma_wait3A_108 = tpu.memref_slice %arg4[%add3A_96, %dma_wait3A_107] : memref<3276800x32xf32, #tpu.memory_space<hbm>> -> memref<800x32xf32, #tpu.memory_space<hbm>>
    %dma_wait3A_109 = arith.constant 0 : i32
    %dma_wait3A_110 = arith.constant 0 : i32
    %dma_wait3A_111 = tpu.memref_slice %arg6[%dma_wait3A_97, %dma_wait3A_109, %dma_wait3A_110] : memref<4x800x32xf32, #tpu.memory_space<vmem>> -> memref<1x800x32xf32, #tpu.memory_space<vmem>>
    %dma_wait3A_112 = tpu.memref_squeeze %dma_wait3A_111 : memref<1x800x32xf32, #tpu.memory_space<vmem>> -> memref<800x32xf32, #tpu.memory_space<vmem>>
    tpu.wait_dma2 semaphore(%dma_wait3A_106 : memref<!tpu.dma_semaphore, #tpu.memory_space<semaphore_mem>>) src(%dma_wait3A_112 : memref<800x32xf32, #tpu.memory_space<vmem>>) dst(%dma_wait3A_108 : memref<800x32xf32, #tpu.memory_space<hbm>>)
    %add3A_113 = arith.constant 101600 : i32
    %add3A_114 = arith.addi %mul3A_2, %add3A_113 : i32
    %dma_wait3A_115 = arith.constant 3 : i32
    %dma_wait3A_116 = arith.constant 3 : i32
    %dma_wait3A_117 = arith.constant 0 : i32
    %dma_wait3A_118 = arith.constant 0 : i32
    %dma_wait3A_119 = tpu.memref_slice %arg6[%dma_wait3A_115, %dma_wait3A_117, %dma_wait3A_118] : memref<4x800x32xf32, #tpu.memory_space<vmem>> -> memref<1x800x32xf32, #tpu.memory_space<vmem>>
    %dma_wait3A_120 = tpu.memref_squeeze %dma_wait3A_119 : memref<1x800x32xf32, #tpu.memory_space<vmem>> -> memref<800x32xf32, #tpu.memory_space<vmem>>
    %dma_wait3A_121 = arith.constant 0 : i32
    %dma_wait3A_122 = tpu.memref_slice %arg4[%add3A_114, %dma_wait3A_121] : memref<3276800x32xf32, #tpu.memory_space<hbm>> -> memref<800x32xf32, #tpu.memory_space<hbm>>
    %dma_wait3A_123 = tpu.memref_slice %arg8[%dma_wait3A_116] : memref<4x!tpu.dma_semaphore, #tpu.memory_space<semaphore_mem>> -> memref<1x!tpu.dma_semaphore, #tpu.memory_space<semaphore_mem>>
    %dma_wait3A_124 = tpu.memref_squeeze %dma_wait3A_123 : memref<1x!tpu.dma_semaphore, #tpu.memory_space<semaphore_mem>> -> memref<!tpu.dma_semaphore, #tpu.memory_space<semaphore_mem>>
    %dma_wait3A_125 = arith.constant 0 : i32
    %dma_wait3A_126 = tpu.memref_slice %arg4[%add3A_114, %dma_wait3A_125] : memref<3276800x32xf32, #tpu.memory_space<hbm>> -> memref<800x32xf32, #tpu.memory_space<hbm>>
    %dma_wait3A_127 = arith.constant 0 : i32
    %dma_wait3A_128 = arith.constant 0 : i32
    %dma_wait3A_129 = tpu.memref_slice %arg6[%dma_wait3A_115, %dma_wait3A_127, %dma_wait3A_128] : memref<4x800x32xf32, #tpu.memory_space<vmem>> -> memref<1x800x32xf32, #tpu.memory_space<vmem>>
    %dma_wait3A_130 = tpu.memref_squeeze %dma_wait3A_129 : memref<1x800x32xf32, #tpu.memory_space<vmem>> -> memref<800x32xf32, #tpu.memory_space<vmem>>
    tpu.wait_dma2 semaphore(%dma_wait3A_124 : memref<!tpu.dma_semaphore, #tpu.memory_space<semaphore_mem>>) src(%dma_wait3A_130 : memref<800x32xf32, #tpu.memory_space<vmem>>) dst(%dma_wait3A_126 : memref<800x32xf32, #tpu.memory_space<hbm>>)
    return
  }
}

</mosaic_0001>

<sc_bundles>
// kernel: _embed.3.cloned.1.call-start
scs
__scs_entry_jumppad:
0x0: {  	(pc) =	sbr.rel $0x88, $3  }
0x1: {  	(tag) =	ssettag $0x0;
	lr =	simm.s32 $0x1  }
0x2: {  	[smem:$0x3F9F] =	sst lr;
	_ =	strace $0xD0000000  }
0x3: {  	_ = 	snop  }
0x4: {  	_ = 	snop  }
0x5: {  	_ = 	snop  }
0x6: {  	_ = 	snop  }
0x7: {  	_ = 	snop  }
__scs_overlays_trampoline_lowered:
0x8: {  	[smem:$0x3FAE] =	sst s0  }
0x9: {  	[smem:$0x3FAF] =	sst s1  }
0xa: {  	[smem:$0x3FB0] =	sst s2  }
0xb: {  	[smem:$0x3FB1] =	sst s3  }
0xc: {  	[smem:$0x3FB2] =	sst s4  }
0xd: {  	[smem:$0x3FB3] =	sst s5  }
0xe: {  	[smem:$0x3FB4] =	sst s6  }
0xf: {  	[smem:$0x3FB5] =	sst s7  }
0x10: {  	[smem:$0x3FB6] =	sst s8  }
0x11: {  	[smem:$0x3FB7] =	sst s9;
	s0 =	simm.s32 @!p0 $0x0  }
0x12: {  	s1 =	sld [smem:$0x3F9D];
	s0 =	simm.s32 @p0 $0x1  }
0x13: {  	[smem:$0x3FB8] =	sst s0;
	s0 =	simm.s32 @!p1 $0x0  }
0x14: {  	s2 =	sld [smem:$0x3F9C];
	s0 =	simm.s32 @p1 $0x1  }
0x15: {  	[smem:$0x3FB9] =	sst s0;
	s0 =	simm.s32 @!p2 $0x0  }
0x16: {  	s3 =	sld [smem:$0x3FDB];
	s0 =	simm.s32 @p2 $0x1  }
0x17: {  	s4 =	simm.s32 $0x1BF5;
	[smem:$0x3FBB] =	sst s0  }
0x18: {  	s0 =	sld [smem:$0x3F9E];
	_ =	swait.ge [sflag:s4], $0x0  }
0x19: {  	s7 =	sld [smem:$0x3F9F]  }
0x1a: {  	s8 =	sadd.s32 $0xFFFFE003, lr  }
0x1b: {  	s9 =	sadd.s32 $0xFFFFFEF7, lr;
	s5 =	simm.s32 $0xFFFFFFFF;
	p2 =	slt.u32 s8, $0xFFFFF086  }
0x1c: {  	p1 =	slt.u32 s9, $0xF7A;
	s5 =	simm.s32 @!p2 $0x0  }
0x1d: {  	s5 =	simm.s32 @p1 $0x1;
	p0 =	seq.s32 s7, s2  }
0x1e: {  	s7 =	smul.u32 @!p0 $0xF7A, s2;
	p2 =	seq.s32 @!p0 s5, $0x0  }
0x1f: {  	s9 =	smul.u32 $0xF7A, s1;
	s8 =	simm.s32 @!p0 $0x1BF5;
	p2 =	por !p2, p0  }
0x20: {  	[sflag:s8] =	ssyncset.s32 @!p0 $0xFFFFF086;
	s6 =	sadd.s32 @!p0 s3, s7;
	s7 =	simm.s32 @!p0 $0x108  }
0x21: {  	s3 =	sadd.s32 s3, s9;
	s6 =	sadd.s32 @!p0 $0x88, s6;
	s7 =	simm.s32 @p2 $0x1082  }
0x22: {  	[simem:s7], [sflag:s8] =	dma.local @!p0 [hbm:s6], $0xF7A  }
0x23: {  	s9 =	sor.u32 $0xD0000000, s2;
	s6 =	simm.s32 $0x108;
	_ =	swait.ge @!p0 [sflag:s8], $0x0  }
0x24: {  	s3 =	sadd.s32 $0x88, s3;
	s6 =	simm.s32 @!p1 $0x1082;
	[sflag:s4] =	ssyncset.s32 $0xFFFFF086  }
0x25: {  	[simem:s6], [sflag:s4] =	dma.local [hbm:s3], $0xF7A  }
0x26: {  	[smem:$0x3F9F] =	sst s1;
	(tag) =	ssettag s2;
	_ =	strace s9  }
0x27: {  	s1 =	sld [smem:$0x3FAF]  }
0x28: {  	s2 =	sld [smem:$0x3FB0]  }
0x29: {  	s4 =	sld [smem:$0x3FB2]  }
0x2a: {  	p0 =	seq.s32 s5, $0x0;
	s5 =	sld [smem:$0x3FB3]  }
0x2b: {  	s6 =	sld [smem:$0x3FB4]  }
0x2c: {  	s7 =	sld [smem:$0x3FB5]  }
0x2d: {  	s3 =	simm.s32 $0x108;
	s8 =	sld [smem:$0x3FB6]  }
0x2e: {  	s3 =	simm.s32 @!p0 $0x1082;
	s9 =	sld [smem:$0x3FB7]  }
0x2f: {  	lr =	sadd.s32 s0, s3;
	s0 =	sld [smem:$0x3FAE]  }
0x30: {  	s3 =	sld [smem:$0x3FB1]  }
0x31: {  	[smem:$0x3FBA] =	sst s10  }
0x32: {  	s10 =	sld [smem:$0x3FB8];
	_ =	sdelay $0x3  }
0x33: {  	p0 =	seq.s32 s10, $0x1;
	s10 =	sld [smem:$0x3FBA];
	_ =	sdelay $0x3  }
0x34: {  	[smem:$0x3FBA] =	sst s10  }
0x35: {  	s10 =	sld [smem:$0x3FB9];
	_ =	sdelay $0x3  }
0x36: {  	p1 =	seq.s32 s10, $0x1;
	s10 =	sld [smem:$0x3FBA];
	_ =	sdelay $0x3  }
0x37: {  	[smem:$0x3FBA] =	sst s10  }
0x38: {  	s10 =	sld [smem:$0x3FBB]  }
0x39: {  	_ = 	snop;
	(pc) =	sbr.ind lr, $3  }
0x3a: {  	_ = 	snop  }
0x3b: {  	_ = 	snop  }
0x3c: {  	p2 =	seq.s32 s10, $0x1;
	s10 =	sld [smem:$0x3FBA]  }
0x3d: {  	_ =	shalt  }
0x3e: {  	_ =	shalt  }
0x3f: {  	_ =	shalt  }
0x40: {  	_ =	shalt  }
0x41: {  	_ =	shalt  }
0x42: {  	_ =	shalt  }
0x43: {  	_ =	shalt  }
0x44: {  	_ =	shalt  }
0x45: {  	_ =	shalt  }
0x46: {  	_ =	shalt  }
0x47: {  	_ =	shalt  }
0x48: {  	_ =	shalt  }
0x49: {  	_ =	shalt  }
0x4a: {  	_ =	shalt  }
0x4b: {  	_ =	shalt  }
0x4c: {  	_ =	shalt  }
0x4d: {  	_ =	shalt  }
0x4e: {  	_ =	shalt  }
0x4f: {  	_ =	shalt  }
0x50: {  	_ =	shalt  }
0x51: {  	_ =	shalt  }
0x52: {  	_ =	shalt  }
0x53: {  	_ =	shalt  }
0x54: {  	_ =	shalt  }
0x55: {  	_ =	shalt  }
0x56: {  	_ =	shalt  }
0x57: {  	_ =	shalt  }
0x58: {  	_ =	shalt  }
0x59: {  	_ =	shalt  }
0x5a: {  	_ =	shalt  }
0x5b: {  	_ =	shalt  }
0x5c: {  	_ =	shalt  }
0x5d: {  	_ =	shalt  }
0x5e: {  	_ =	shalt  }
0x5f: {  	_ =	shalt  }
0x60: {  	_ =	shalt  }
0x61: {  	_ =	shalt  }
0x62: {  	_ =	shalt  }
0x63: {  	_ =	shalt  }
0x64: {  	_ =	shalt  }
0x65: {  	_ =	shalt  }
0x66: {  	_ =	shalt  }
0x67: {  	_ =	shalt  }
0x68: {  	_ =	shalt  }
0x69: {  	_ =	shalt  }
0x6a: {  	_ =	shalt  }
0x6b: {  	_ =	shalt  }
0x6c: {  	_ =	shalt  }
0x6d: {  	_ =	shalt  }
0x6e: {  	_ =	shalt  }
0x6f: {  	_ =	shalt  }
0x70: {  	_ =	shalt  }
0x71: {  	_ =	shalt  }
0x72: {  	_ =	shalt  }
0x73: {  	_ =	shalt  }
0x74: {  	_ =	shalt  }
0x75: {  	_ =	shalt  }
0x76: {  	_ =	shalt  }
0x77: {  	_ =	shalt  }
0x78: {  	_ =	shalt  }
0x79: {  	_ =	shalt  }
0x7a: {  	_ =	shalt  }
0x7b: {  	_ =	shalt  }
0x7c: {  	_ =	shalt  }
0x7d: {  	_ =	shalt  }
0x7e: {  	_ =	shalt  }
0x7f: {  	_ =	shalt  }
0x80: {  	_ =	shalt  }
0x81: {  	_ =	shalt  }
0x82: {  	_ =	shalt  }
0x83: {  	_ =	shalt  }
0x84: {  	_ =	shalt  }
0x85: {  	_ =	shalt  }
0x86: {  	_ =	shalt  }
0x87: {  	_ =	shalt  }
.Lfunc_end0:
.L_simem_size_0:
called_computation.1_lowered:
.L_overlay_start_0:
0x88: {  	s2 =	sld [smem:$0x3FD9]  }
0x89: {  	s3 =	sld [smem:$0x3FFE];
	_ =	sdelay $0x1  }
0x8a: {  	s1 =	srdreg.scid  }
0x8b: {  	s0 =	sand.u32 $0x1, s1  }
0x8c: {  	s17 =	sshll.u32 s0, $0xA;
	s2 =	sadd.s32 s3, s2  }
0x8d: {  	s2 =	sadd.s32 s2, s17  }
0x8e: {  	[smem:$0x3FC6] =	sst s2  }
0x8f: {  	_ = 	snop  }
0x90: {  	s2 =	sld [smem:$0x3FC9]  }
0x91: {  	s18 =	sld [smem:$0x3FD0];
	(tm) =	ssettm $0x1  }
0x92: {  	s4 =	sld [smem:$0x3FFB];
	_ =	sdelay $0x3  }
0x93: {  	_ =	strace s4  }
0x94: {  	s4 =	sld [smem:$0x3FFC];
	_ =	sdelay $0x3  }
0x95: {  	_ =	strace s4  }
0x96: {  	s4 =	sld [smem:$0x3FFD];
	_ =	sdelay $0x3  }
0x97: {  	_ =	strace s4  }
0x98: {  	_ =	strace $0x8FFFFFFF  }
0x99: {  	s19 =	sld [smem:$0x3FDB];
	_ =	sdelay $0x1  }
0x9a: {  	s5 =	simm.s32 $_scs_section_size  }
0x9b: {  	s6 =	simm.s32 $_size__tile_overlayer_lowered;
	s7 =	simm.s32 $_tile_overlayer_lowered  }
0x9c: {  	s22 =	simm.s32 $0x1BFF;
	s21 =	sshll.u32 s7, $0x1;
	s4 =	sadd.s32 s5, s19  }
0x9d: {  	s8 =	simm.s32 $0x0;
	s20 =	sshll.u32 s6, $0x1;
	s6 =	sadd.s32 s21, s4  }
0x9e: {  	[timem:s8], [sflag:s22] =	dma.local [hbm:s6], s20  }
0x9f: {  	_ =	swait.ge [sflag:s22], s20  }
0xa0: {  	s5 =	ssub.s32 $0x0, s20;
	[sflag:s22] =	ssyncset.done $0x0  }
0xa1: {  	[sflag:s22] =	ssyncadd.s32 s5;
	_ =	sdelay $0x1  }
0xa2: {  	s23 =	simm.s32 $0x1B8B  }
0xa3: {  	_ =	swait.ge [sflag:s23], $0x1  }
0xa4: {  	[sflag:s23] =	ssyncset.done $0x0  }
0xa5: {  	s25 =	simm.s32 $0x1B8E;
	s24 =	sld [smem:$0x3FFE];
	[sflag:s23] =	ssyncadd.s32 $0xFFFFFFFF  }
0xa6: {  	s26 =	simm.s32 $execute0_lowered;
	[smem:$0x3FD2] =	sst s25  }
0xa7: {  	s6 =	sshll.u32 s26, $0x1;
	_ =	strace $0x80000046;
	[dreg:$0x1] =	wrdreg $0xFFFFFFFF  }
0xa8: {  	s28 =	simm.s32 $_size_execute0_lowered;
	s4 =	sadd.s32 s4, s6;
	[dreg:$0x0] =	wrdreg $0x0  }
0xa9: {  	s6 =	sshll.u32 s28, $0x1;
	[dreg:$0x2] =	wrdreg s4  }
0xaa: {  	[dreg:$0x3] =	wrdreg s6  }
0xab: {  	[dreg:$0x4] =	wrdreg $0xC0  }
0xac: {  	_ =	task [dreg:s8], $0x5FFFF  }
0xad: {  	[dreg:$0x1] =	wrdreg $0xFFFFFFFF  }
0xae: {  	[dreg:$0x0] =	wrdreg $0x60  }
0xaf: {  	[dreg:$0x2] =	wrdreg s2  }
0xb0: {  	[dreg:$0x3] =	wrdreg s24  }
0xb1: {  	[dreg:$0x4] =	wrdreg s18  }
0xb2: {  	[dreg:$0x5] =	wrdreg $0x9  }
0xb3: {  	_ =	task.clear_ibuf [dreg:s8], $0x6FFFF;
	_ =	strace $0x90000046  }
0xb4: {  	s29 =	simm.s32 $0x9;
	_ =	strace $0x80000048  }
0xb5: {  	_ =	swait.ge [sflag:s29], $0x1  }
0xb6: {  	[sflag:s29] =	ssyncadd.s32 $0xFFFFFFFF  }
0xb7: {  	_ =	strace $0x90000048  }
0xb8: {  	_ =	sfence  }
0xb9: {  	s30 =	sld [smem:$0x0];
	_ =	sdelay $0x2  }
0xba: {  	s31 =	sshll.u32 s1, $0xD;
	s1 =	sshrl.u32 s1, $0x2  }
0xbb: {  	s3 =	sand.u32 $0x4000, s31;
	s1 =	sadd.s32 s1, s30  }
0xbc: {  	s0 =	sor.u32 s3, s0;
	s1 =	sshll.u32 s1, $0x11  }
0xbd: {  	s0 =	sor.u32 s1, s0  }
0xbe: {  	s0 =	sadd.s32 $0x8F2B, s0  }
0xbf: {  	[sflag:s0] =	ssyncadd.remote.s32 $0x1  }
0xc0: {  	_ =	sfence.sel $0xFFFF  }
0xc1: {  	[dreg:$0x0] =	wrdreg $0xFFFFFFFF;
	(pc) =	sbr.abs _section_cstart, $3  }
0xc2: {  	[dreg:$0x1] =	wrdreg $0xFFFFFFFF  }
0xc3: {  	_ =	task.clear_ibuf [dreg:s8], $0x2FFFF;
	_ =	strace $0x9FFFFFFF  }
0xc4: {  	(tm) =	ssettm $0x7FFFFFFF  }
0xc5: {  	_ =	shalt  }
tec
execute0_lowered:
.L_overlay_start_1:
0x0: {  	(tag) =	ssettag $0x1  }
0x1: {  	s1 =	rddreg [dreg:$0x0];
	s0 =	srdreg.scid  }
0x2: {  	s3 =	stileid.u32;
	s2 =	rddreg [dreg:$0x1]  }
0x3: {  	s17 =	simm.s32 $0x9;
	s18 =	simm.s32 $0x320;
	s19 =	simm.s32 $0xC80  }
0x4: {  	s20 =	simm.s32 $0x7080;
	s21 =	simm.s32 $0x640;
	s22 =	simm.s32 $0xD480  }
0x5: {  	s23 =	simm.s32 $0x1;
	s24 =	simm.s32 $0x960;
	s25 =	simm.s32 $0x13880  }
0x6: {  	s28 =	simm.s32 $0x3;
	s29 =	simm.s32 $0x4;
	s8 =	simm.s32 $0x0  }
0x7: {  	s0 =	sand.u32 $0x1, s0;
	s4 =	sshll.u32 s3, $0x1;
	s3 =	rddreg [dreg:$0x2]  }
0x8: {  	s6 =	sadd.s32 $0xF42C00, s2;
	s5 =	sor.u32 s0, s4;
	s4 =	simm.s32 $0x0  }
0x9: {  	s0 =	ssub.s32 $0x2, s0;
	s5 =	smul.u32 $0x19000, s5;
	[smem:$0x7FF] =	sst s4  }
0xa: {  	s2 =	simm.s32 $0x7;
	s26 =	sshrl.u32 s0, $0x1;
	_ =	strace $0x80000047  }
0xb: {  	s0 =	ssub.s32 s0, s26;
	s26 =	simm.s32 $0x2;
	s7 =	sshrl.u32 s5, $0x3  }
.Ltmp0:
0xc: {  	s10 =	sor.u32 $0x960, s5;
	s0 =	smax.u32 s0, $0x1;
	(pc) =	sbr.rel .LBB2_1-.Ltmp0, $4  }
0xd: {  	s11 =	sor.u32 $0x320, s5;
	s7 =	sadd.s32 s1, s7;
	[dreg:$0x7] =	wrdreg s0  }
0xe: {  	s12 =	sor.u32 $0xC80, s5;
	s30 =	sadd.s32 $0x64, s7;
	[dreg:$0x4] =	wrdreg s7  }
0xf: {  	s13 =	sor.u32 $0x640, s5;
	s31 =	sadd.s32 $0xC8, s7;
	[dreg:$0x5] =	wrdreg s30  }
0x10: {  	s14 =	sor.u32 $0xFA0, s5;
	s15 =	sadd.s32 $0x12C0, s5;
	[dreg:$0x6] =	wrdreg s31  }
.LBB2_12:
0x11: {  	s0 =	simm.s32 $0x5  }
0x12: {  	_ =	swait.ge [sflag:s0], $0x6400  }
0x13: {  	[sflag:s0] =	ssyncset.done $0x0  }
0x14: {  	s30 =	simm.s32 $0x6;
	[sflag:s0] =	ssyncadd.s32 $0xFFFF9C00  }
0x15: {  	_ =	swait.ge [sflag:s30], $0x6400  }
0x16: {  	[sflag:s30] =	ssyncset.done $0x0  }
0x17: {  	[sflag:s30] =	ssyncadd.s32 $0xFFFF9C00  }
0x18: {  	_ =	swait.ge [sflag:s2], $0x6400  }
0x19: {  	[sflag:s2] =	ssyncset.done $0x0  }
0x1a: {  	s7 =	simm.s32 $0x8;
	[sflag:s2] =	ssyncadd.s32 $0xFFFF9C00  }
0x1b: {  	_ =	swait.ge [sflag:s7], $0x6400  }
0x1c: {  	s8 =	sadd.s32 $0x1, s8;
	s31 =	rddreg [dreg:$0x7]  }
0x1d: {  	p0 =	sne.s32 s8, s31  }
.Ltmp1:
0x1e: {  	_ = 	snop;
	(pc) =	sbr.rel @!p0 .LBB2_13-.Ltmp1, $3  }
0x1f: {  	_ =	sdelay $0x1  }
0x20: {  	[sflag:s7] =	ssyncset.done $0x0  }
0x21: {  	[sflag:s7] =	ssyncadd.s32 $0xFFFF9C00  }
.LBB2_1:
0x22: {  	s0 =	rddreg [dreg:$0x4]  }
0x23: {  	[tilespmem:s4], [sflag:$0x9] =	stream.linear.gather [hbm4b:s0+s4], $0x320, $0x38;
	[tilespmem:$0x19C80] =	vst v63  }
0x24: {  	_ =	swait.ge [sflag:s17], $0x320  }
0x25: {  	[sflag:s17] =	ssyncset.done $0x0  }
0x26: {  	[sflag:s17] =	ssyncadd.s32 $0xFFFFFCE0  }
0x27: {  	[tilespmem:s19], [sflag:$0x1] =	stream.indirect.gather [hbm4b:s6+s18], $0x20, s4, s18, $0xb8;
	[tilespmem:$0x19C80] =	vst v63  }
0x28: {  	s30 =	rddreg [dreg:$0x5]  }
0x29: {  	[tilespmem:s18], [sflag:$0x9] =	stream.linear.gather [hbm4b:s30+s4], $0x320, $0x38;
	[tilespmem:$0x19C80] =	vst v63  }
0x2a: {  	_ =	swait.ge [sflag:s17], $0x320  }
0x2b: {  	[sflag:s17] =	ssyncset.done $0x0  }
0x2c: {  	[sflag:s17] =	ssyncadd.s32 $0xFFFFFCE0  }
0x2d: {  	[tilespmem:s20], [sflag:$0x2] =	stream.indirect.gather [hbm4b:s6+s18], $0x20, s18, s18, $0xb8;
	[tilespmem:$0x19C80] =	vst v63  }
0x2e: {  	s31 =	rddreg [dreg:$0x6]  }
0x2f: {  	[tilespmem:s21], [sflag:$0x9] =	stream.linear.gather [hbm4b:s31+s4], $0x320, $0x38;
	[tilespmem:$0x19C80] =	vst v63  }
0x30: {  	_ =	swait.ge [sflag:s17], $0x320  }
0x31: {  	[sflag:s17] =	ssyncset.done $0x0  }
0x32: {  	s9 =	simm.s32 $0x0;
	[sflag:s17] =	ssyncadd.s32 $0xFFFFFCE0  }
0x33: {  	[tilespmem:s22], [sflag:$0x3] =	stream.indirect.gather [hbm4b:s6+s18], $0x20, s21, s18, $0xb8;
	[tilespmem:$0x19C80] =	vst v63  }
.LBB2_2:
0x34: {  	_ =	swait.ge [sflag:s23], $0x6400  }
0x35: {  	[sflag:s23] =	ssyncset.done $0x0  }
0x36: {  	s7 =	simm.s32 $0xD00;
	[sflag:s23] =	ssyncadd.s32 $0xFFFF9C00  }
0x37: {  	v0 =	vld [tilespmem:s7+$0x70]  }
0x38: {  	v1 =	vld [tilespmem:s7+$0xFFFFFF90]  }
0x39: {  	v2 =	vld [tilespmem:s7+$0xFFFFFFA0]  }
0x3a: {  	v3 =	vld [tilespmem:s7+$0xFFFFFFB0]  }
0x3b: {  	v4 =	vld [tilespmem:s7+$0xFFFFFFC0]  }
0x3c: {  	v5 =	vld [tilespmem:s7+$0xFFFFFFD0];
	v0 =	vmul.f32 $5.656854150e+00, v0  }
0x3d: {  	v6 =	vld [tilespmem:s7+$0xFFFFFFE0];
	v1 =	vmul.f32 $5.656854150e+00, v1  }
0x3e: {  	v7 =	vld [tilespmem:s7+$0xFFFFFFF0];
	v2 =	vmul.f32 $5.656854150e+00, v2;
	[tilespmem:s7+$0x70] =	vst v0  }
0x3f: {  	[tilespmem:s7+$0xFFFFFF90] =	vst v1;
	v0 =	vmul.f32 $5.656854150e+00, v3;
	v3 =	vld [tilespmem:s7+$0x0]  }
0x40: {  	[tilespmem:s7+$0xFFFFFFA0] =	vst v2;
	v1 =	vmul.f32 $5.656854150e+00, v4;
	v4 =	vld [tilespmem:s7+$0x10]  }
0x41: {  	v8 =	vld [tilespmem:s7+$0x20];
	v2 =	vmul.f32 $5.656854150e+00, v5;
	[tilespmem:s7+$0xFFFFFFB0] =	vst v0  }
0x42: {  	v5 =	vmul.f32 $5.656854150e+00, v6;
	[tilespmem:s7+$0xFFFFFFC0] =	vst v1;
	v0 =	vld [tilespmem:s7+$0x30]  }
0x43: {  	[tilespmem:s7+$0xFFFFFFD0] =	vst v2;
	v2 =	vmul.f32 $5.656854150e+00, v7;
	v1 =	vld [tilespmem:s7+$0x40]  }
0x44: {  	[tilespmem:s7+$0xFFFFFFE0] =	vst v5;
	v6 =	vmul.f32 $5.656854150e+00, v3;
	v3 =	vld [tilespmem:s7+$0x50]  }
0x45: {  	[tilespmem:s7+$0xFFFFFFF0] =	vst v2;
	v2 =	vld [tilespmem:s7+$0x60];
	v5 =	vmul.f32 $5.656854150e+00, v4  }
0x46: {  	s16 =	simm.s32 $0x0;
	s30 =	simm.s32 $0xE00;
	v4 =	vld [tilespmem:s7+$0xFFFFFF80];
	[tilespmem:s7+$0x0] =	vst v6;
	v6 =	vmul.f32 $5.656854150e+00, v8  }
.LBB2_3:
0x47: {  	v7 =	vld [tilespmem:s30+$0x70];
	s16 =	sadd.s32 $0x8, s16;
	[tilespmem:s7+$0x10] =	vst v5;
	v0 =	vmul.f32 $5.656854150e+00, v0  }
0x48: {  	v5 =	vld [tilespmem:s30+$0xFFFFFF90];
	p0 =	slt.u32 s16, $0x318;
	[tilespmem:s7+$0x20] =	vst v6;
	v1 =	vmul.f32 $5.656854150e+00, v1  }
0x49: {  	v6 =	vld [tilespmem:s30+$0xFFFFFFA0];
	[tilespmem:s7+$0x30] =	vst v0;
	v0 =	vmul.f32 $5.656854150e+00, v3  }
0x4a: {  	v3 =	vld [tilespmem:s30+$0xFFFFFFB0];
	[tilespmem:s7+$0x40] =	vst v1;
	v1 =	vmul.f32 $5.656854150e+00, v2  }
0x4b: {  	v2 =	vld [tilespmem:s30+$0xFFFFFFC0];
	v4 =	vmul.f32 $5.656854150e+00, v4;
	[tilespmem:s7+$0x50] =	vst v0  }
0x4c: {  	v0 =	vld [tilespmem:s30+$0xFFFFFFD0];
	v7 =	vmul.f32 $5.656854150e+00, v7;
	[tilespmem:s7+$0x60] =	vst v1  }
0x4d: {  	v1 =	vmul.f32 $5.656854150e+00, v5;
	v5 =	vld [tilespmem:s30+$0xFFFFFFE0];
	[tilespmem:s7+$0xFFFFFF80] =	vst v4;
	s7 =	smov.u32 s30  }
0x4e: {  	v4 =	vmul.f32 $5.656854150e+00, v6;
	v6 =	vld [tilespmem:s30+$0xFFFFFFF0];
	[tilespmem:s30+$0x70] =	vst v7  }
0x4f: {  	[tilespmem:s30+$0xFFFFFF90] =	vst v1;
	v1 =	vmul.f32 $5.656854150e+00, v3;
	v3 =	vld [tilespmem:s30+$0x0]  }
0x50: {  	[tilespmem:s30+$0xFFFFFFA0] =	vst v4;
	v2 =	vmul.f32 $5.656854150e+00, v2;
	v4 =	vld [tilespmem:s30+$0x10]  }
0x51: {  	[tilespmem:s30+$0xFFFFFFB0] =	vst v1;
	v1 =	vmul.f32 $5.656854150e+00, v0;
	v7 =	vld [tilespmem:s30+$0x20]  }
.Ltmp2:
0x52: {  	[tilespmem:s30+$0xFFFFFFC0] =	vst v2;
	v2 =	vmul.f32 $5.656854150e+00, v5;
	v0 =	vld [tilespmem:s30+$0x30];
	(pc) =	sbr.rel @p0 .LBB2_3-.Ltmp2, $4  }
0x53: {  	[tilespmem:s30+$0xFFFFFFD0] =	vst v1;
	v5 =	vmul.f32 $5.656854150e+00, v6;
	v1 =	vld [tilespmem:s30+$0x40]  }
0x54: {  	[tilespmem:s30+$0xFFFFFFE0] =	vst v2;
	v6 =	vmul.f32 $5.656854150e+00, v3;
	v3 =	vld [tilespmem:s30+$0x50]  }
0x55: {  	[tilespmem:s30+$0xFFFFFFF0] =	vst v5;
	v5 =	vmul.f32 $5.656854150e+00, v4;
	v2 =	vld [tilespmem:s30+$0x60]  }
0x56: {  	s30 =	sadd.s32 $0x100, s30;
	v4 =	vld [tilespmem:s7+$0xFFFFFF80];
	[tilespmem:s7+$0x0] =	vst v6;
	v6 =	vmul.f32 $5.656854150e+00, v7  }
0x57: {  	[tilespmem:s7+$0x10] =	vst v5;
	v0 =	vmul.f32 $5.656854150e+00, v0  }
0x58: {  	[tilespmem:s7+$0x20] =	vst v6;
	v1 =	vmul.f32 $5.656854150e+00, v1  }
0x59: {  	s16 =	smul.u32 $0xC80, s9;
	[tilespmem:s7+$0x30] =	vst v0;
	v0 =	vmul.f32 $5.656854150e+00, v3  }
0x5a: {  	[tilespmem:s7+$0x40] =	vst v1;
	v1 =	vmul.f32 $5.656854150e+00, v2  }
0x5b: {  	s0 =	sadd.s32 s5, s16;
	v2 =	vmul.f32 $5.656854150e+00, v4;
	[tilespmem:s7+$0x50] =	vst v0  }
0x5c: {  	s0 =	sshll.u32 s0, $0x2;
	[tilespmem:s7+$0x60] =	vst v1  }
0x5d: {  	p0 =	seq.s32 s9, $0x0;
	s0 =	sadd.s32 s3, s0;
	[tilespmem:s7+$0xFFFFFF80] =	vst v2  }
0x5e: {  	[hbm4b:s0+s4] =	stream.linear.scatter [tilespmem:s19], [sflag:$0x5], $0x6400, $0x38;
	[tilespmem:$0x19C80] =	vst v63  }
0x5f: {  	s0 =	simm.s32 @!p0 $0x8  }
0x60: {  	s7 =	sadd.s32 s16, s10;
	_ =	swait.ge @!p0 [sflag:s0], $0x6400  }
0x61: {  	s30 =	sshrl.u32 s7, $0x3;
	[sflag:s0] =	ssyncset.done @!p0 $0x0  }
0x62: {  	[sflag:s0] =	ssyncadd.s32 @!p0 $0xFFFF9C00;
	s0 =	sadd.s32 s1, s30  }
0x63: {  	[tilespmem:s24], [sflag:$0x9] =	stream.linear.gather [hbm4b:s0+s4], $0x320, $0x38;
	[tilespmem:$0x19C80] =	vst v63  }
0x64: {  	_ =	swait.ge [sflag:s17], $0x320  }
0x65: {  	[sflag:s17] =	ssyncset.done $0x0  }
0x66: {  	[sflag:s17] =	ssyncadd.s32 $0xFFFFFCE0  }
0x67: {  	[tilespmem:s25], [sflag:$0x4] =	stream.indirect.gather [hbm4b:s6+s18], $0x20, s24, s18, $0xb8;
	[tilespmem:$0x19C80] =	vst v63  }
0x68: {  	_ =	swait.ge [sflag:s26], $0x6400  }
0x69: {  	[sflag:s26] =	ssyncset.done $0x0  }
0x6a: {  	s30 =	simm.s32 $0x7080;
	[sflag:s26] =	ssyncadd.s32 $0xFFFF9C00  }
0x6b: {  	v0 =	vld [tilespmem:s30+$0xF0]  }
0x6c: {  	v1 =	vld [tilespmem:s30+$0x10]  }
0x6d: {  	v2 =	vld [tilespmem:s30+$0x20]  }
0x6e: {  	v3 =	vld [tilespmem:s30+$0x30]  }
0x6f: {  	v4 =	vld [tilespmem:s30+$0x40]  }
0x70: {  	v5 =	vld [tilespmem:s30+$0x50];
	v0 =	vmul.f32 $5.656854150e+00, v0  }
0x71: {  	v6 =	vld [tilespmem:s30+$0x60];
	v1 =	vmul.f32 $5.656854150e+00, v1  }
0x72: {  	v7 =	vld [tilespmem:s30+$0x70];
	v2 =	vmul.f32 $5.656854150e+00, v2;
	[tilespmem:s30+$0xF0] =	vst v0  }
0x73: {  	[tilespmem:s30+$0x10] =	vst v1;
	v0 =	vmul.f32 $5.656854150e+00, v3;
	v3 =	vld [tilespmem:s30+$0x80]  }
0x74: {  	[tilespmem:s30+$0x20] =	vst v2;
	v1 =	vmul.f32 $5.656854150e+00, v4;
	v4 =	vld [tilespmem:s30+$0x90]  }
0x75: {  	v8 =	vld [tilespmem:s30+$0xA0];
	v2 =	vmul.f32 $5.656854150e+00, v5;
	[tilespmem:s30+$0x30] =	vst v0  }
0x76: {  	v5 =	vmul.f32 $5.656854150e+00, v6;
	[tilespmem:s30+$0x40] =	vst v1;
	v0 =	vld [tilespmem:s30+$0xB0]  }
0x77: {  	v6 =	vmul.f32 $5.656854150e+00, v7;
	[tilespmem:s30+$0x50] =	vst v2;
	v1 =	vld [tilespmem:s30+$0xC0]  }
0x78: {  	[tilespmem:s30+$0x60] =	vst v5;
	v2 =	vld [tilespmem:s30+$0xD0];
	v7 =	vmul.f32 $5.656854150e+00, v3  }
0x79: {  	[tilespmem:s30+$0x70] =	vst v6;
	v3 =	vld [tilespmem:s30+$0xE0];
	v5 =	vmul.f32 $5.656854150e+00, v4  }
0x7a: {  	s31 =	simm.s32 $0x0;
	s0 =	simm.s32 $0x7180;
	v6 =	vmul.f32 $5.656854150e+00, v8;
	v4 =	vld [tilespmem:s30+$0x0];
	[tilespmem:s30+$0x80] =	vst v7  }
.LBB2_5:
0x7b: {  	v7 =	vld [tilespmem:s0+$0xF0];
	s31 =	sadd.s32 $0x8, s31;
	[tilespmem:s30+$0x90] =	vst v5;
	v0 =	vmul.f32 $5.656854150e+00, v0  }
0x7c: {  	v5 =	vld [tilespmem:s0+$0x10];
	p0 =	slt.u32 s31, $0x318;
	[tilespmem:s30+$0xA0] =	vst v6;
	v1 =	vmul.f32 $5.656854150e+00, v1  }
0x7d: {  	v6 =	vld [tilespmem:s0+$0x20];
	[tilespmem:s30+$0xB0] =	vst v0;
	v0 =	vmul.f32 $5.656854150e+00, v2  }
0x7e: {  	v2 =	vld [tilespmem:s0+$0x30];
	[tilespmem:s30+$0xC0] =	vst v1;
	v1 =	vmul.f32 $5.656854150e+00, v3  }
0x7f: {  	v3 =	vld [tilespmem:s0+$0x40];
	v4 =	vmul.f32 $5.656854150e+00, v4;
	[tilespmem:s30+$0xD0] =	vst v0  }
0x80: {  	v0 =	vld [tilespmem:s0+$0x50];
	v7 =	vmul.f32 $5.656854150e+00, v7;
	[tilespmem:s30+$0xE0] =	vst v1  }
0x81: {  	v1 =	vmul.f32 $5.656854150e+00, v5;
	v5 =	vld [tilespmem:s0+$0x60];
	[tilespmem:s30+$0x0] =	vst v4;
	s30 =	smov.u32 s0  }
0x82: {  	v4 =	vmul.f32 $5.656854150e+00, v6;
	v6 =	vld [tilespmem:s0+$0x70];
	[tilespmem:s0+$0xF0] =	vst v7  }
0x83: {  	[tilespmem:s0+$0x10] =	vst v1;
	v1 =	vmul.f32 $5.656854150e+00, v2;
	v2 =	vld [tilespmem:s0+$0x80]  }
0x84: {  	[tilespmem:s0+$0x20] =	vst v4;
	v3 =	vmul.f32 $5.656854150e+00, v3;
	v4 =	vld [tilespmem:s0+$0x90]  }
0x85: {  	[tilespmem:s0+$0x30] =	vst v1;
	v1 =	vmul.f32 $5.656854150e+00, v0;
	v7 =	vld [tilespmem:s0+$0xA0]  }
.Ltmp3:
0x86: {  	[tilespmem:s0+$0x40] =	vst v3;
	v3 =	vmul.f32 $5.656854150e+00, v5;
	v0 =	vld [tilespmem:s0+$0xB0];
	(pc) =	sbr.rel @p0 .LBB2_5-.Ltmp3, $4  }
0x87: {  	[tilespmem:s0+$0x50] =	vst v1;
	v5 =	vmul.f32 $5.656854150e+00, v6;
	v1 =	vld [tilespmem:s0+$0xC0]  }
0x88: {  	[tilespmem:s0+$0x60] =	vst v3;
	v6 =	vmul.f32 $5.656854150e+00, v2;
	v2 =	vld [tilespmem:s0+$0xD0]  }
0x89: {  	[tilespmem:s0+$0x70] =	vst v5;
	v5 =	vmul.f32 $5.656854150e+00, v4;
	v3 =	vld [tilespmem:s0+$0xE0]  }
0x8a: {  	s0 =	sadd.s32 $0x100, s0;
	v4 =	vld [tilespmem:s30+$0x0];
	[tilespmem:s30+$0x80] =	vst v6;
	v6 =	vmul.f32 $5.656854150e+00, v7  }
0x8b: {  	[tilespmem:s30+$0x90] =	vst v5;
	v0 =	vmul.f32 $5.656854150e+00, v0  }
0x8c: {  	[tilespmem:s30+$0xA0] =	vst v6;
	v1 =	vmul.f32 $5.656854150e+00, v1  }
0x8d: {  	[tilespmem:s30+$0xB0] =	vst v0;
	v0 =	vmul.f32 $5.656854150e+00, v2  }
0x8e: {  	s0 =	sadd.s32 s16, s11;
	[tilespmem:s30+$0xC0] =	vst v1;
	v1 =	vmul.f32 $5.656854150e+00, v3  }
0x8f: {  	s0 =	sshll.u32 s0, $0x2;
	v2 =	vmul.f32 $5.656854150e+00, v4;
	[tilespmem:s30+$0xD0] =	vst v0  }
0x90: {  	s0 =	sand.u32 $0x1FFFFE80, s0;
	[tilespmem:s30+$0xE0] =	vst v1  }
0x91: {  	p0 =	seq.s32 s9, $0x1F;
	s0 =	sadd.s32 s3, s0;
	[tilespmem:s30+$0x0] =	vst v2  }
0x92: {  	[hbm4b:s0+s4] =	stream.linear.scatter [tilespmem:s20], [sflag:$0x6], $0x6400, $0x38;
	[tilespmem:$0x19C80] =	vst v63  }
0x93: {  	s0 =	simm.s32 @!p0 $0x5  }
0x94: {  	s30 =	sadd.s32 @!p0 s16, s12;
	_ =	swait.ge @!p0 [sflag:s0], $0x6400  }
0x95: {  	s30 =	sshrl.u32 @!p0 s30, $0x3;
	[sflag:s0] =	ssyncset.done @!p0 $0x0  }
0x96: {  	[sflag:s0] =	ssyncadd.s32 @!p0 $0xFFFF9C00;
	s0 =	sadd.s32 @!p0 s1, s30;
	s30 =	simm.s32 @!p0 $0x0  }
0x97: {  	[tilespmem:s30], [sflag:$0x9] =	stream.linear.gather @!p0 [hbm4b:s0+s30], $0x320, $0x38;
	[tilespmem:$0x19C80] =	vst v63  }
0x98: {  	s0 =	simm.s32 @!p0 $0x9  }
0x99: {  	_ =	swait.ge @!p0 [sflag:s0], $0x320  }
0x9a: {  	[sflag:s0] =	ssyncset.done @!p0 $0x0  }
0x9b: {  	s31 =	simm.s32 @!p0 $0xC80;
	[sflag:s0] =	ssyncadd.s32 @!p0 $0xFFFFFCE0;
	s0 =	simm.s32 @!p0 $0x320  }
0x9c: {  	[tilespmem:s31], [sflag:$0x1] =	stream.indirect.gather @!p0 [hbm4b:s6+s0], $0x20, s30, s0, $0xb8;
	[tilespmem:$0x19C80] =	vst v63  }
0x9d: {  	_ =	swait.ge [sflag:s28], $0x6400  }
0x9e: {  	[sflag:s28] =	ssyncset.done $0x0  }
0x9f: {  	s30 =	simm.s32 $0xD480;
	[sflag:s28] =	ssyncadd.s32 $0xFFFF9C00  }
0xa0: {  	v0 =	vld [tilespmem:s30+$0xF0]  }
0xa1: {  	v1 =	vld [tilespmem:s30+$0x10]  }
0xa2: {  	v2 =	vld [tilespmem:s30+$0x20]  }
0xa3: {  	v3 =	vld [tilespmem:s30+$0x30]  }
0xa4: {  	v4 =	vld [tilespmem:s30+$0x40]  }
0xa5: {  	v5 =	vld [tilespmem:s30+$0x50];
	v0 =	vmul.f32 $5.656854150e+00, v0  }
0xa6: {  	v6 =	vld [tilespmem:s30+$0x60];
	v1 =	vmul.f32 $5.656854150e+00, v1  }
0xa7: {  	v7 =	vld [tilespmem:s30+$0x70];
	v2 =	vmul.f32 $5.656854150e+00, v2;
	[tilespmem:s30+$0xF0] =	vst v0  }
0xa8: {  	[tilespmem:s30+$0x10] =	vst v1;
	v0 =	vmul.f32 $5.656854150e+00, v3;
	v3 =	vld [tilespmem:s30+$0x80]  }
0xa9: {  	[tilespmem:s30+$0x20] =	vst v2;
	v1 =	vmul.f32 $5.656854150e+00, v4;
	v4 =	vld [tilespmem:s30+$0x90]  }
0xaa: {  	v8 =	vld [tilespmem:s30+$0xA0];
	v2 =	vmul.f32 $5.656854150e+00, v5;
	[tilespmem:s30+$0x30] =	vst v0  }
0xab: {  	v5 =	vmul.f32 $5.656854150e+00, v6;
	[tilespmem:s30+$0x40] =	vst v1;
	v0 =	vld [tilespmem:s30+$0xB0]  }
0xac: {  	v6 =	vmul.f32 $5.656854150e+00, v7;
	[tilespmem:s30+$0x50] =	vst v2;
	v1 =	vld [tilespmem:s30+$0xC0]  }
0xad: {  	[tilespmem:s30+$0x60] =	vst v5;
	v2 =	vld [tilespmem:s30+$0xD0];
	v7 =	vmul.f32 $5.656854150e+00, v3  }
0xae: {  	[tilespmem:s30+$0x70] =	vst v6;
	v3 =	vld [tilespmem:s30+$0xE0];
	v5 =	vmul.f32 $5.656854150e+00, v4  }
0xaf: {  	s31 =	simm.s32 $0x0;
	s0 =	simm.s32 $0xD580;
	v6 =	vmul.f32 $5.656854150e+00, v8;
	v4 =	vld [tilespmem:s30+$0x0];
	[tilespmem:s30+$0x80] =	vst v7  }
.LBB2_7:
0xb0: {  	v7 =	vld [tilespmem:s0+$0xF0];
	s31 =	sadd.s32 $0x8, s31;
	[tilespmem:s30+$0x90] =	vst v5;
	v0 =	vmul.f32 $5.656854150e+00, v0  }
0xb1: {  	v5 =	vld [tilespmem:s0+$0x10];
	p1 =	slt.u32 s31, $0x318;
	[tilespmem:s30+$0xA0] =	vst v6;
	v1 =	vmul.f32 $5.656854150e+00, v1  }
0xb2: {  	v6 =	vld [tilespmem:s0+$0x20];
	[tilespmem:s30+$0xB0] =	vst v0;
	v0 =	vmul.f32 $5.656854150e+00, v2  }
0xb3: {  	v2 =	vld [tilespmem:s0+$0x30];
	[tilespmem:s30+$0xC0] =	vst v1;
	v1 =	vmul.f32 $5.656854150e+00, v3  }
0xb4: {  	v3 =	vld [tilespmem:s0+$0x40];
	v4 =	vmul.f32 $5.656854150e+00, v4;
	[tilespmem:s30+$0xD0] =	vst v0  }
0xb5: {  	v0 =	vld [tilespmem:s0+$0x50];
	v7 =	vmul.f32 $5.656854150e+00, v7;
	[tilespmem:s30+$0xE0] =	vst v1  }
0xb6: {  	v1 =	vmul.f32 $5.656854150e+00, v5;
	v5 =	vld [tilespmem:s0+$0x60];
	[tilespmem:s30+$0x0] =	vst v4;
	s30 =	smov.u32 s0  }
0xb7: {  	v4 =	vmul.f32 $5.656854150e+00, v6;
	v6 =	vld [tilespmem:s0+$0x70];
	[tilespmem:s0+$0xF0] =	vst v7  }
0xb8: {  	[tilespmem:s0+$0x10] =	vst v1;
	v1 =	vmul.f32 $5.656854150e+00, v2;
	v2 =	vld [tilespmem:s0+$0x80]  }
0xb9: {  	[tilespmem:s0+$0x20] =	vst v4;
	v3 =	vmul.f32 $5.656854150e+00, v3;
	v4 =	vld [tilespmem:s0+$0x90]  }
0xba: {  	[tilespmem:s0+$0x30] =	vst v1;
	v1 =	vmul.f32 $5.656854150e+00, v0;
	v7 =	vld [tilespmem:s0+$0xA0]  }
.Ltmp4:
0xbb: {  	[tilespmem:s0+$0x40] =	vst v3;
	v3 =	vmul.f32 $5.656854150e+00, v5;
	v0 =	vld [tilespmem:s0+$0xB0];
	(pc) =	sbr.rel @p1 .LBB2_7-.Ltmp4, $4  }
0xbc: {  	[tilespmem:s0+$0x50] =	vst v1;
	v5 =	vmul.f32 $5.656854150e+00, v6;
	v1 =	vld [tilespmem:s0+$0xC0]  }
0xbd: {  	[tilespmem:s0+$0x60] =	vst v3;
	v6 =	vmul.f32 $5.656854150e+00, v2;
	v2 =	vld [tilespmem:s0+$0xD0]  }
0xbe: {  	[tilespmem:s0+$0x70] =	vst v5;
	v5 =	vmul.f32 $5.656854150e+00, v4;
	v3 =	vld [tilespmem:s0+$0xE0]  }
0xbf: {  	s0 =	sadd.s32 $0x100, s0;
	v4 =	vld [tilespmem:s30+$0x0];
	[tilespmem:s30+$0x80] =	vst v6;
	v6 =	vmul.f32 $5.656854150e+00, v7  }
0xc0: {  	[tilespmem:s30+$0x90] =	vst v5;
	v0 =	vmul.f32 $5.656854150e+00, v0  }
0xc1: {  	[tilespmem:s30+$0xA0] =	vst v6;
	v1 =	vmul.f32 $5.656854150e+00, v1  }
0xc2: {  	[tilespmem:s30+$0xB0] =	vst v0;
	v0 =	vmul.f32 $5.656854150e+00, v2  }
0xc3: {  	s0 =	sadd.s32 s16, s13;
	[tilespmem:s30+$0xC0] =	vst v1;
	v1 =	vmul.f32 $5.656854150e+00, v3  }
0xc4: {  	s0 =	sshll.u32 s0, $0x2;
	v2 =	vmul.f32 $5.656854150e+00, v4;
	[tilespmem:s30+$0xD0] =	vst v0  }
0xc5: {  	s0 =	sand.u32 $0x1FFFFF00, s0;
	[tilespmem:s30+$0xE0] =	vst v1  }
0xc6: {  	s0 =	sadd.s32 s3, s0;
	[tilespmem:s30+$0x0] =	vst v2  }
0xc7: {  	[hbm4b:s0+s4] =	stream.linear.scatter [tilespmem:s22], [sflag:$0x7], $0x6400, $0x38;
	[tilespmem:$0x19C80] =	vst v63  }
0xc8: {  	s0 =	simm.s32 @!p0 $0x6  }
0xc9: {  	_ =	swait.ge @!p0 [sflag:s0], $0x6400  }
0xca: {  	s30 =	sadd.s32 @!p0 s16, s14;
	[sflag:s0] =	ssyncset.done @!p0 $0x0  }
0xcb: {  	[sflag:s0] =	ssyncadd.s32 @!p0 $0xFFFF9C00;
	s0 =	sshrl.u32 @!p0 s30, $0x3  }
0xcc: {  	s31 =	simm.s32 @!p0 $0x320;
	s30 =	simm.s32 @!p0 $0x0;
	s0 =	sadd.s32 @!p0 s1, s0  }
0xcd: {  	[tilespmem:s31], [sflag:$0x9] =	stream.linear.gather @!p0 [hbm4b:s0+s30], $0x320, $0x38;
	[tilespmem:$0x19C80] =	vst v63  }
0xce: {  	s0 =	simm.s32 @!p0 $0x9  }
0xcf: {  	_ =	swait.ge @!p0 [sflag:s0], $0x320  }
0xd0: {  	[sflag:s0] =	ssyncset.done @!p0 $0x0  }
0xd1: {  	[sflag:s0] =	ssyncadd.s32 @!p0 $0xFFFFFCE0;
	s0 =	simm.s32 @!p0 $0x7080  }
0xd2: {  	[tilespmem:s0], [sflag:$0x2] =	stream.indirect.gather @!p0 [hbm4b:s6+s31], $0x20, s31, s31, $0xb8;
	[tilespmem:$0x19C80] =	vst v63  }
0xd3: {  	_ =	swait.ge [sflag:s29], $0x6400  }
0xd4: {  	[sflag:s29] =	ssyncset.done $0x0  }
0xd5: {  	s30 =	simm.s32 $0x13880;
	[sflag:s29] =	ssyncadd.s32 $0xFFFF9C00  }
0xd6: {  	v0 =	vld [tilespmem:s30+$0xF0]  }
0xd7: {  	v1 =	vld [tilespmem:s30+$0x10]  }
0xd8: {  	v2 =	vld [tilespmem:s30+$0x20]  }
0xd9: {  	v3 =	vld [tilespmem:s30+$0x30]  }
0xda: {  	v4 =	vld [tilespmem:s30+$0x40]  }
0xdb: {  	v5 =	vld [tilespmem:s30+$0x50];
	v0 =	vmul.f32 $5.656854150e+00, v0  }
0xdc: {  	v6 =	vld [tilespmem:s30+$0x60];
	v1 =	vmul.f32 $5.656854150e+00, v1  }
0xdd: {  	v7 =	vld [tilespmem:s30+$0x70];
	v2 =	vmul.f32 $5.656854150e+00, v2;
	[tilespmem:s30+$0xF0] =	vst v0  }
0xde: {  	[tilespmem:s30+$0x10] =	vst v1;
	v0 =	vmul.f32 $5.656854150e+00, v3;
	v3 =	vld [tilespmem:s30+$0x80]  }
0xdf: {  	[tilespmem:s30+$0x20] =	vst v2;
	v1 =	vmul.f32 $5.656854150e+00, v4;
	v4 =	vld [tilespmem:s30+$0x90]  }
0xe0: {  	v8 =	vld [tilespmem:s30+$0xA0];
	v2 =	vmul.f32 $5.656854150e+00, v5;
	[tilespmem:s30+$0x30] =	vst v0  }
0xe1: {  	v5 =	vmul.f32 $5.656854150e+00, v6;
	[tilespmem:s30+$0x40] =	vst v1;
	v0 =	vld [tilespmem:s30+$0xB0]  }
0xe2: {  	v6 =	vmul.f32 $5.656854150e+00, v7;
	[tilespmem:s30+$0x50] =	vst v2;
	v1 =	vld [tilespmem:s30+$0xC0]  }
0xe3: {  	[tilespmem:s30+$0x60] =	vst v5;
	v2 =	vld [tilespmem:s30+$0xD0];
	v7 =	vmul.f32 $5.656854150e+00, v3  }
0xe4: {  	[tilespmem:s30+$0x70] =	vst v6;
	v3 =	vld [tilespmem:s30+$0xE0];
	v5 =	vmul.f32 $5.656854150e+00, v4  }
0xe5: {  	s31 =	simm.s32 $0x0;
	s0 =	simm.s32 $0x13980;
	v6 =	vmul.f32 $5.656854150e+00, v8;
	v4 =	vld [tilespmem:s30+$0x0];
	[tilespmem:s30+$0x80] =	vst v7  }
.LBB2_9:
0xe6: {  	v7 =	vld [tilespmem:s0+$0xF0];
	s31 =	sadd.s32 $0x8, s31;
	[tilespmem:s30+$0x90] =	vst v5;
	v0 =	vmul.f32 $5.656854150e+00, v0  }
0xe7: {  	v5 =	vld [tilespmem:s0+$0x10];
	p1 =	slt.u32 s31, $0x318;
	[tilespmem:s30+$0xA0] =	vst v6;
	v1 =	vmul.f32 $5.656854150e+00, v1  }
0xe8: {  	v6 =	vld [tilespmem:s0+$0x20];
	[tilespmem:s30+$0xB0] =	vst v0;
	v0 =	vmul.f32 $5.656854150e+00, v2  }
0xe9: {  	v2 =	vld [tilespmem:s0+$0x30];
	[tilespmem:s30+$0xC0] =	vst v1;
	v1 =	vmul.f32 $5.656854150e+00, v3  }
0xea: {  	v3 =	vld [tilespmem:s0+$0x40];
	v4 =	vmul.f32 $5.656854150e+00, v4;
	[tilespmem:s30+$0xD0] =	vst v0  }
0xeb: {  	v0 =	vld [tilespmem:s0+$0x50];
	v7 =	vmul.f32 $5.656854150e+00, v7;
	[tilespmem:s30+$0xE0] =	vst v1  }
0xec: {  	v1 =	vmul.f32 $5.656854150e+00, v5;
	v5 =	vld [tilespmem:s0+$0x60];
	[tilespmem:s30+$0x0] =	vst v4;
	s30 =	smov.u32 s0  }
0xed: {  	v4 =	vmul.f32 $5.656854150e+00, v6;
	v6 =	vld [tilespmem:s0+$0x70];
	[tilespmem:s0+$0xF0] =	vst v7  }
0xee: {  	[tilespmem:s0+$0x10] =	vst v1;
	v1 =	vmul.f32 $5.656854150e+00, v2;
	v2 =	vld [tilespmem:s0+$0x80]  }
0xef: {  	[tilespmem:s0+$0x20] =	vst v4;
	v3 =	vmul.f32 $5.656854150e+00, v3;
	v4 =	vld [tilespmem:s0+$0x90]  }
0xf0: {  	[tilespmem:s0+$0x30] =	vst v1;
	v1 =	vmul.f32 $5.656854150e+00, v0;
	v7 =	vld [tilespmem:s0+$0xA0]  }
.Ltmp5:
0xf1: {  	[tilespmem:s0+$0x40] =	vst v3;
	v3 =	vmul.f32 $5.656854150e+00, v5;
	v0 =	vld [tilespmem:s0+$0xB0];
	(pc) =	sbr.rel @p1 .LBB2_9-.Ltmp5, $4  }
0xf2: {  	[tilespmem:s0+$0x50] =	vst v1;
	v5 =	vmul.f32 $5.656854150e+00, v6;
	v1 =	vld [tilespmem:s0+$0xC0]  }
0xf3: {  	[tilespmem:s0+$0x60] =	vst v3;
	v6 =	vmul.f32 $5.656854150e+00, v2;
	v2 =	vld [tilespmem:s0+$0xD0]  }
0xf4: {  	[tilespmem:s0+$0x70] =	vst v5;
	v5 =	vmul.f32 $5.656854150e+00, v4;
	v3 =	vld [tilespmem:s0+$0xE0]  }
0xf5: {  	s0 =	sadd.s32 $0x100, s0;
	v4 =	vld [tilespmem:s30+$0x0];
	[tilespmem:s30+$0x80] =	vst v6;
	v6 =	vmul.f32 $5.656854150e+00, v7  }
0xf6: {  	[tilespmem:s30+$0x90] =	vst v5;
	v0 =	vmul.f32 $5.656854150e+00, v0  }
0xf7: {  	[tilespmem:s30+$0xA0] =	vst v6;
	v1 =	vmul.f32 $5.656854150e+00, v1  }
0xf8: {  	[tilespmem:s30+$0xB0] =	vst v0;
	v61 =	vmul.f32 $5.656854150e+00, v2  }
.Ltmp6:
0xf9: {  	[tilespmem:s30+$0xC0] =	vst v1;
	v62 =	vmul.f32 $5.656854150e+00, v3;
	(pc) =	sbr.rel @p0 .LBB2_12-.Ltmp6, $4  }
0xfa: {  	s0 =	sshll.u32 s7, $0x2;
	v63 =	vmul.f32 $5.656854150e+00, v4;
	[tilespmem:s30+$0xD0] =	vst v61  }
0xfb: {  	s0 =	sand.u32 $0x1FFFFF80, s0;
	[tilespmem:s30+$0xE0] =	vst v62  }
0xfc: {  	s0 =	sadd.s32 s3, s0;
	[tilespmem:s30+$0x0] =	vst v63  }
0xfd: {  	[hbm4b:s0+s4] =	stream.linear.scatter [tilespmem:s25], [sflag:$0x8], $0x6400, $0x38;
	[tilespmem:$0x19C80] =	vst v63  }
0xfe: {  	_ =	swait.ge [sflag:s2], $0x6400;
	s0 =	sadd.s32 s16, s15  }
0xff: {  	[sflag:s2] =	ssyncset.done $0x0;
	s0 =	sshrl.u32 s0, $0x3  }
0x100: {  	[sflag:s2] =	ssyncadd.s32 $0xFFFF9C00;
	s0 =	sadd.s32 s1, s0  }
0x101: {  	[tilespmem:s21], [sflag:$0x9] =	stream.linear.gather [hbm4b:s0+s4], $0x320, $0x38;
	[tilespmem:$0x19C80] =	vst v63  }
.Ltmp7:
0x102: {  	_ = 	snop;
	(pc) =	sbr.rel .LBB2_2-.Ltmp7, $4  }
0x103: {  	_ =	swait.ge [sflag:s17], $0x320  }
0x104: {  	[sflag:s17] =	ssyncset.done $0x0  }
0x105: {  	s9 =	sadd.s32 $0x1, s9;
	[sflag:s17] =	ssyncadd.s32 $0xFFFFFCE0  }
0x106: {  	[tilespmem:s22], [sflag:$0x3] =	stream.indirect.gather [hbm4b:s6+s18], $0x20, s21, s18, $0xb8;
	[tilespmem:$0x19C80] =	vst v63  }
.LBB2_13:
0x107: {  	_ =	sfence.sel $0x180000  }
0x108: {  	[bflag:$0x0] =	sbarrier.arrive $0xFFFF  }
0x109: {  	_ =	strace $0x90000047  }
0x10a: {  	s0 =	stileid.u32;
	[bflag:$0x2] =	sbarrier.arrive $0xFFFF  }
0x10b: {  	p0 =	sne.s32 s0, $0x0;
	s0 =	rddreg [dreg:$0x3]  }
0x10c: {  	s0 =	sadd.s32 @!p0 $0x100000, s0  }
0x10d: {  	[sflag:s0] =	ssyncadd.tile.s32 @!p0 $0x1;
	_ =	shalt  }
.Lfunc_end2:
_tile_overlayer_lowered:
.L_overlay_start_2:
0x10e: {  	(tag) =	ssettag $0x2  }
0x10f: {  	s0 =	rddreg [dreg:$0x0];
	s2 =	stileid.u32  }
0x110: {  	s1 =	rddreg [dreg:$0x1];
	p0 =	sne.s32 s2, $0x0  }
0x111: {  	s3 =	rddreg [dreg:$0x2];
	[bflag:$0x3] =	sbarrier.arrive $0xFFFF;
	s2 =	simm.s32 @!p0 $0x1C09  }
0x112: {  	[timem:s3], [sflag:s2] =	dma.local @!p0 [hbm:s0], s1  }
0x113: {  	s0 =	simm.s32 @!p0 $0x9  }
0x114: {  	_ =	swait.ge @!p0 [sflag:s0], s1  }
0x115: {  	s1 =	ssub.s32 @!p0 $0x0, s1;
	[sflag:s0] =	ssyncset.done @!p0 $0x0  }
0x116: {  	[sflag:s0] =	ssyncadd.s32 @!p0 s1  }
0x117: {  	[bflag:$0x3] =	sbarrier.arrive $0xFFFF  }
0x118: {  	_ =	shalt  }

// kernel: sparse-core-data-format-call.cloned.1.call-start
scs
called_computation_lowered:
.L_overlay_start_0:
0x0: {  	s2 =	sld [smem:$0x3FD9]  }
0x1: {  	s3 =	sld [smem:$0x3FFE];
	_ =	sdelay $0x1  }
0x2: {  	s1 =	srdreg.scid  }
0x3: {  	s0 =	sand.u32 $0x1, s1  }
0x4: {  	s18 =	sshll.u32 s0, $0xA;
	s2 =	sadd.s32 s3, s2  }
0x5: {  	s2 =	sadd.s32 s2, s18  }
0x6: {  	[smem:$0x3FC6] =	sst s2  }
0x7: {  	_ = 	snop  }
0x8: {  	s2 =	sld [smem:$0x3FD0];
	(tm) =	ssettm $0x1  }
0x9: {  	s19 =	sld [smem:$0x3FFB];
	_ =	sdelay $0x3  }
0xa: {  	_ =	strace s19  }
0xb: {  	s3 =	sld [smem:$0x3FFC];
	_ =	sdelay $0x3  }
0xc: {  	_ =	strace s3  }
0xd: {  	s3 =	sld [smem:$0x3FFD];
	_ =	sdelay $0x3  }
0xe: {  	_ =	strace s3  }
0xf: {  	_ =	strace $0x8FFFFFFF  }
0x10: {  	s20 =	sld [smem:$0x3FDB];
	_ =	sdelay $0x1  }
0x11: {  	s4 =	simm.s32 $_scs_section_size  }
0x12: {  	s5 =	simm.s32 $_size__tile_overlayer_lowered;
	s6 =	simm.s32 $_tile_overlayer_lowered  }
0x13: {  	s23 =	simm.s32 $0x1BFF;
	s22 =	sshll.u32 s6, $0x1;
	s3 =	sadd.s32 s4, s20  }
0x14: {  	s7 =	simm.s32 $0x0;
	s21 =	sshll.u32 s5, $0x1;
	s5 =	sadd.s32 s22, s3  }
0x15: {  	[timem:s7], [sflag:s23] =	dma.local [hbm:s5], s21  }
0x16: {  	_ =	swait.ge [sflag:s23], s21  }
0x17: {  	s4 =	ssub.s32 $0x0, s21;
	[sflag:s23] =	ssyncset.done $0x0  }
0x18: {  	[sflag:s23] =	ssyncadd.s32 s4;
	_ =	sdelay $0x1  }
0x19: {  	s24 =	simm.s32 $0x1B8B  }
0x1a: {  	_ =	swait.ge [sflag:s24], $0x1  }
0x1b: {  	[sflag:s24] =	ssyncset.done $0x0  }
0x1c: {  	s26 =	simm.s32 $0x1B8E;
	s25 =	sld [smem:$0x3FFE];
	[sflag:s24] =	ssyncadd.s32 $0xFFFFFFFF  }
0x1d: {  	s27 =	simm.s32 $execute0_lowered;
	[smem:$0x3FD2] =	sst s26  }
0x1e: {  	s5 =	sshll.u32 s27, $0x1;
	_ =	strace $0x80000049;
	[dreg:$0x1] =	wrdreg $0xFFFFFFFF  }
0x1f: {  	s28 =	simm.s32 $_size_execute0_lowered;
	s3 =	sadd.s32 s3, s5;
	[dreg:$0x0] =	wrdreg $0x0  }
0x20: {  	s5 =	sshll.u32 s28, $0x1;
	[dreg:$0x2] =	wrdreg s3  }
0x21: {  	[dreg:$0x3] =	wrdreg s5  }
0x22: {  	[dreg:$0x4] =	wrdreg $0xC0  }
0x23: {  	_ =	task [dreg:s7], $0x5FFFF  }
0x24: {  	[dreg:$0x1] =	wrdreg $0xFFFFFFFF  }
0x25: {  	[dreg:$0x0] =	wrdreg $0x60  }
0x26: {  	[dreg:$0x2] =	wrdreg s25  }
0x27: {  	[dreg:$0x3] =	wrdreg s2  }
0x28: {  	[dreg:$0x4] =	wrdreg $0x9  }
0x29: {  	_ =	task.clear_ibuf [dreg:s7], $0x5FFFF;
	_ =	strace $0x90000049  }
0x2a: {  	s29 =	simm.s32 $0x9;
	_ =	strace $0x8000004B  }
0x2b: {  	_ =	swait.ge [sflag:s29], $0x1  }
0x2c: {  	[sflag:s29] =	ssyncadd.s32 $0xFFFFFFFF  }
0x2d: {  	_ =	strace $0x9000004B  }
0x2e: {  	_ =	sfence  }
0x2f: {  	s30 =	sld [smem:$0x0];
	_ =	sdelay $0x2  }
0x30: {  	s31 =	sshll.u32 s1, $0xD;
	s1 =	sshrl.u32 s1, $0x2  }
0x31: {  	s3 =	sand.u32 $0x4000, s31;
	s1 =	sadd.s32 s1, s30  }
0x32: {  	s0 =	sor.u32 s3, s0;
	s1 =	sshll.u32 s1, $0x11  }
0x33: {  	s0 =	sor.u32 s1, s0  }
0x34: {  	s0 =	sadd.s32 $0x8F2B, s0  }
0x35: {  	[sflag:s0] =	ssyncadd.remote.s32 $0x1  }
0x36: {  	_ =	sfence.sel $0xFFFF  }
0x37: {  	[dreg:$0x0] =	wrdreg $0xFFFFFFFF;
	(pc) =	sbr.abs _section_cstart, $3  }
0x38: {  	[dreg:$0x1] =	wrdreg $0xFFFFFFFF  }
0x39: {  	_ =	task.clear_ibuf [dreg:s7], $0x2FFFF;
	_ =	strace $0x9FFFFFFF  }
0x3a: {  	(tm) =	ssettm $0x7FFFFFFF  }
0x3b: {  	_ =	shalt  }
tec
execute0_lowered:
.L_overlay_start_1:
0x0: {  	(tag) =	ssettag $0x1  }
0x1: {  	s0 =	srdreg.scid  }
0x2: {  	s1 =	sshll.u32 s0, $0x4  }
0x3: {  	s4 =	rddreg [dreg:$0x0];
	s0 =	stileid.u32;
	s1 =	sand.u32 $0x10, s1  }
0x4: {  	s2 =	rddreg [dreg:$0x1];
	s7 =	simm.s32 $0x1;
	s1 =	sor.u32 s0, s1  }
0x5: {  	s8 =	simm.s32 $0x2;
	s11 =	simm.s32 $0x0;
	s3 =	sshll.u32 s1, $0x7  }
0x6: {  	s10 =	simm.s32 $0x0;
	s4 =	sadd.s32 $0x800, s4;
	s6 =	ssub.s32 $0x320000, s3  }
.Ltmp0:
0x7: {  	s1 =	rddreg [dreg:$0x2];
	s5 =	sand.u32 $0xF80, s6;
	(pc) =	sbr.rel .LBB1_1-.Ltmp0, $4  }
0x8: {  	_ =	strace $0x8000004A;
	s9 =	smov.u32 s3;
	p0 =	sne.s32 s5, $0x0  }
0x9: {  	s6 =	sshrl.u32 s6, $0xC;
	s5 =	simm.s32 $0x1;
	s7 =	simm.s32 @!p0 $0x0  }
0xa: {  	[sflag:s5] =	ssyncpa.u1 $0x0;
	p0 =	por $0x0, $0x0;
	s6 =	sadd.s32 s7, s6  }
0xb: {  	[sflag:s8] =	ssyncpa.u1 $0x0;
	s8 =	simm.s32 $0x1900000;
	s7 =	sadd.s32 $0x1, s6  }
.LBB1_4:
0xc: {  	s14 =	sshll.u32 s11, $0x3  }
0xd: {  	s30 =	sand.u32 $0x7F, s11;
	s15 =	sand.u32 $0xFFFFFC00, s14  }
0xe: {  	s11 =	sor.u32 s30, s15  }
0xf: {  	s15 =	smulhi.u32 $0x51EB851F, s11  }
0x10: {  	s14 =	smulhi.u32 $0x51EB851F, s14  }
0x11: {  	s15 =	sshrl.u32 s15, $0x14  }
0x12: {  	s14 =	sshrl.u32 s14, $0x14;
	s15 =	smul.u32 $0x320000, s15  }
0x13: {  	s14 =	sand.u32 $0x1F, s14  }
0x14: {  	s14 =	smul.u32 $0x64000, s14;
	s11 =	ssub.s32 s11, s15  }
0x15: {  	s15 =	sand.u32 $0x7, s11  }
0x16: {  	s14 =	sadd.s32 s2, s14;
	s11 =	sshrl.u32 s11, $0x3;
	s15 =	sshll.u32 s15, $0x12  }
0x17: {  	[tilespmem:s13+$0x0 ss:$0x81] =	vst.msk $0xffff, v0;
	s11 =	sadd.s32 s11, s14;
	s31 =	sor.u32 $0x400, s15  }
0x18: {  	[hbm4b:s11+s31] =	stream.strided.scatter [tilespmem:s12], [sflag:$0x2], $0x1000, s8, s31, $0x20;
	[tilespmem:$0x4040] =	vst v63  }
.LBB1_5:
0x19: {  	s13 =	sadd.s32 $0x1000, s9  }
0x1a: {  	p2 =	sgt.s32 s13, $0x31FFFF  }
0x1b: {  	s13 =	smov.u32 @p2 s3;
	p2 =	sne.s32 s10, s7  }
.Ltmp1:
0x1c: {  	p1 =	slt.u32 s10, $0x2;
	(pc) =	sbr.rel @!p2 .LBB1_6-.Ltmp1, $4  }
0x1d: {  	s12 =	simm.s32 @!p1 $0x2  }
0x1e: {  	s14 =	sadd.s32 $0x1, s10;
	_ =	swait.ge @!p1 [sflag:s12], $0x1000  }
0x1f: {  	s11 =	smov.u32 s9;
	p0 =	por !p0, !p0;
	[sflag:s12] =	ssyncset.done @!p1 $0x0  }
0x20: {  	s10 =	smov.u32 s14;
	s9 =	smov.u32 s13;
	[sflag:s12] =	ssyncadd.s32 @!p1 $0xFFFFF000  }
.LBB1_1:
0x21: {  	p1 =	sge.u32 s10, s6  }
0x22: {  	s12 =	sand.u32 @!p1 $0x1FFFFFF, s9  }
0x23: {  	s13 =	smulhi.u32 @!p1 $0x147AE15, s12;
	_ =	sdelay $0x1  }
0x24: {  	s13 =	sshrl.u32 @!p1 s13, $0xE  }
0x25: {  	s13 =	smul.u32 @!p1 $0x320000, s13;
	_ =	sdelay $0x1  }
0x26: {  	s31 =	sadd.s32 $0xFFFFFFFF, s10;
	s14 =	sxor.u32 @!p1 $0xFFFFFFFF, s10;
	s12 =	ssub.s32 @!p1 s12, s13  }
0x27: {  	s15 =	simm.s32 @!p1 $0x80;
	s14 =	sshll.u32 @!p1 s14, $0xC;
	s12 =	sshll.u32 @!p1 s12, $0x4  }
0x28: {  	s13 =	sand.u32 @!p1 $0x1000, s14;
	s14 =	simm.s32 @!p1 $0x20;
	s12 =	sadd.s32 @!p1 s4, s12  }
0x29: {  	[tilespmem:s13], [sflag:$0x1] =	stream.strided.gather @!p1 [hbm4b:s12+s14], $0x1000, s15, s14, $0x38;
	[tilespmem:$0x4040] =	vst v63  }
0x2a: {  	p1 =	sge.u32 s31, s6  }
.Ltmp2:
0x2b: {  	_ = 	snop;
	(pc) =	sbr.rel @p1 .LBB1_5-.Ltmp2, $1  }
0x2c: {  	_ =	sdelay $0x3  }
0x2d: {  	s12 =	simm.s32 $0x1  }
0x2e: {  	_ =	swait.ge [sflag:s5], $0x1000;
	s12 =	simm.s32 @!p0 $0x0  }
0x2f: {  	[sflag:s5] =	ssyncset.done $0x0;
	s13 =	sshll.u32 s12, $0xC  }
0x30: {  	[sflag:s5] =	ssyncadd.s32 $0xFFFFF000;
	s16 =	sor.u32 $0x10, s13  }
0x31: {  	s12 =	smul.u32 $0x4080, s12;
	v1 =	vld [tilespmem:s16+$0x0]  }
0x32: {  	s30 =	sand.u32 $0x1, s10;
	v0 =	vld [tilespmem:s16+$0xFFFFFFF0]  }
0x33: {  	s13 =	smul.u32 $0x4080, s30;
	s12 =	sshrl.u32 s12, $0x2  }
0x34: {  	s14 =	sor.u32 $0x2000, s12  }
0x35: {  	s31 =	sshrl.u32 s13, $0x2;
	s13 =	sadd.s32 $0x0, s14  }
0x36: {  	s15 =	simm.s32 $0x4;
	s16 =	sadd.s32 $0x20, s16;
	s12 =	sor.u32 $0x2000, s31;
	[tilespmem:s13+$0x810 ss:$0x81] =	vst.msk $0xffff, v1  }
.LBB1_3:
0x37: {  	v1 =	vld [tilespmem:s16+$0x0];
	p1 =	sne.s32 s15, $0x1FC;
	[tilespmem:s13+$0x0 ss:$0x81] =	vst.msk $0xffff, v0;
	s13 =	smov.u32 s15;
	s15 =	sadd.s32 $0x4, s15  }
.Ltmp3:
0x38: {  	v0 =	vld [tilespmem:s16+$0xFFFFFFF0];
	(pc) =	sbr.rel @p1 .LBB1_3-.Ltmp3, $4  }
0x39: {  	_ = 	snop  }
0x3a: {  	s13 =	sshra.s32 s13, $0x2  }
0x3b: {  	s13 =	sadd.s32 s13, s14  }
0x3c: {  	s16 =	sadd.s32 $0x20, s16;
	[tilespmem:s13+$0x810 ss:$0x81] =	vst.msk $0xffff, v1  }
.Ltmp4:
0x3d: {  	_ = 	snop;
	(pc) =	sbr.rel .LBB1_4-.Ltmp4, $1  }
0x3e: {  	_ =	sdelay $0x3  }
.LBB1_6:
0x3f: {  	_ =	sfence.sel $0x180000  }
0x40: {  	s2 =	simm.s32 $0x1;
	[bflag:$0x0] =	sbarrier.arrive $0xFFFF  }
0x41: {  	s31 =	simm.s32 $0x2;
	[sflag:s2] =	ssyncpa.u1 $0x1  }
0x42: {  	[sflag:s31] =	ssyncpa.u1 $0x1  }
0x43: {  	p0 =	sne.s32 s0, $0x0;
	_ =	strace $0x9000004A  }
0x44: {  	s0 =	sadd.s32 @!p0 $0x100000, s1;
	[bflag:$0x2] =	sbarrier.arrive $0xFFFF  }
0x45: {  	[sflag:s0] =	ssyncadd.tile.s32 @!p0 $0x1;
	_ =	shalt  }
.Lfunc_end1:
_tile_overlayer_lowered:
.L_overlay_start_2:
0x46: {  	(tag) =	ssettag $0x2  }
0x47: {  	s0 =	rddreg [dreg:$0x0];
	s2 =	stileid.u32  }
0x48: {  	s1 =	rddreg [dreg:$0x1];
	p0 =	sne.s32 s2, $0x0  }
0x49: {  	s3 =	rddreg [dreg:$0x2];
	[bflag:$0x3] =	sbarrier.arrive $0xFFFF;
	s2 =	simm.s32 @!p0 $0x1C01  }
0x4a: {  	[timem:s3], [sflag:s2] =	dma.local @!p0 [hbm:s0], s1  }
0x4b: {  	s0 =	simm.s32 @!p0 $0x1  }
0x4c: {  	_ =	swait.ge @!p0 [sflag:s0], s1  }
0x4d: {  	s1 =	ssub.s32 @!p0 $0x0, s1;
	[sflag:s0] =	ssyncset.done @!p0 $0x0  }
0x4e: {  	[sflag:s0] =	ssyncadd.s32 @!p0 s1  }
0x4f: {  	[bflag:$0x3] =	sbarrier.arrive $0xFFFF  }
0x50: {  	_ =	shalt  }

</sc_bundles>
